<compile_context>
chip_gen: v7x
topology: tpu7x:2x2x1
jax: 0.10.2.dev20260603
libtpu: 0.0.44.dev20260713+nightly
codegen_flags: <defaults>
</compile_context>

<pallas_src>
import functools

import jax
import jax.numpy as jnp
from jax import lax
from jax.experimental import pallas as pl
from jax.experimental.pallas import tpu as pltpu
from jax.experimental.pallas import tpu_sc as plsc

_N = 100
_T_EFF = 0.05
_THETA = 0.2

_B = 512
_M = 784
_NC = 2
_NS = 16
_NW = _NC * _NS
_ROWS_PER_W = _B // _NW


def _latency_kernel(x_ref, t_ref):
    xb = x_ref[...]
    mask = xb > _THETA
    ratio = jnp.where(mask, xb / (xb - _THETA), 1.0)
    t = (_T_EFF * jnp.log(ratio) * _N).astype(jnp.int32)
    t_ref[...] = jnp.where(mask, t, -1)


def _sc_onehot_body(t_hbm, o_hbm, t_all, buf, sem):
    w = lax.axis_index("s") * _NC + lax.axis_index("c")
    row0 = w * _ROWS_PER_W
    pltpu.sync_copy(t_hbm.at[pl.ds(row0 * _M, _ROWS_PER_W * _M)], t_all)

    lanes = lax.iota(jnp.int32, 16)
    ones = jnp.ones((16,), jnp.int32)
    zeros = jnp.zeros((16,), jnp.int32)

    def zero_row(r, carry):
        rv = jnp.full((16,), r, jnp.int32)
        for j in range(7):
            col = lanes + (j * 16)
            plsc.store_scatter(buf, [rv, col], zeros, mask=col < _N)
        return carry

    lax.fori_loop(0, _M, zero_row, 0)

    def chunk(c, carry):
        tbase = c * _M
        for j in range(_M // 16):
            tv = t_all[pl.ds(tbase + j * 16, 16)]
            valid = (tv >= 0) & (tv < _N)
            row = lanes + (j * 16)
            plsc.store_scatter(buf, [row, tv], ones, mask=valid)
        pltpu.async_copy(buf, o_hbm.at[row0 + c], sem).wait()
        for j in range(_M // 16):
            tv = t_all[pl.ds(tbase + j * 16, 16)]
            valid = (tv >= 0) & (tv < _N)
            row = lanes + (j * 16)
            plsc.store_scatter(buf, [row, tv], zeros, mask=valid)
        return carry

    lax.fori_loop(0, _ROWS_PER_W, chunk, 0)


def kernel(x):
    B, M = x.shape
    xr = jnp.reshape(x, (B * M // 128, 128))
    t = pl.pallas_call(
        _latency_kernel,
        out_shape=jax.ShapeDtypeStruct(xr.shape, jnp.int32),
    )(xr)
    t = jnp.reshape(t, (B * M,))

    sc_onehot = functools.partial(
        pl.kernel,
        out_type=jax.ShapeDtypeStruct((B, M, _N), jnp.int32),
        mesh=plsc.VectorSubcoreMesh(
            core_axis_name="c", subcore_axis_name="s",
            num_cores=_NC, num_subcores=_NS,
        ),
        scratch_types=[
            pltpu.VMEM((_ROWS_PER_W * M,), jnp.int32),
            pltpu.VMEM((M, _N), jnp.int32),
            pltpu.SemaphoreType.DMA,
        ],
        compiler_params=pltpu.CompilerParams(needs_layout_passes=False),
    )(_sc_onehot_body)
    return sc_onehot(t)

# --- scband reference (transcript-rebuilt; emitter-appended) ---
"""Pipeline reference for scband-intensity-to-spike-latency-11476152615371 (READ-ONLY COPY).

The authoritative reference and input builder live on the scoring server;
editing this copy changes nothing except your own understanding.
"""

import jax, jax.numpy as jnp
import numpy as np

N = 100
T_EFF = 0.05
THETA = 0.2


def setup_inputs(seed: int = 0) -> dict:
    key = jax.random.key(seed)
    x = jax.random.uniform(key, (512, 784), dtype=jnp.float32)
    return {"x": x}


def reference(x):
    B, M = x.shape
    flat = x.reshape(-1)
    mask = flat > THETA
    # TF: T = cast(t_eff * log(x / (x - theta)) * N, int); only gathered at mask==True
    ratio = jnp.where(mask, flat / (flat - THETA), 1.0)  # avoid NaN where masked out
    T = (T_EFF * jnp.log(ratio) * N).astype(jnp.int32)
    rows = jnp.arange(flat.shape[0], dtype=jnp.int32)
    # route invalid (sub-threshold) pixels to an out-of-bounds row so the scatter drops them
    rows_safe = jnp.where(mask, rows, jnp.int32(flat.shape[0]))
    cols_safe = jnp.where(mask, T, jnp.int32(N))
    res = jnp.zeros((flat.shape[0], N), dtype=jnp.int32).at[rows_safe, cols_safe].add(
        jnp.int32(1), mode="drop"
    )
    return res.reshape(B, M, N)

if __name__ == "__main__":
    import jax
    _d = setup_inputs()
    print(jax.jit(kernel)(*tuple(_d.values())))

</pallas_src>

<mosaic_0001>
#map = affine_map<(d0, d1) -> (0)>
#map1 = affine_map<(d0, d1) -> (0, 0, 0)>
module attributes {stable_mosaic.version = 14 : i64} {
  func.func @_sc_onehot_body(%arg0: i32, %arg1: i32, %arg2: memref<401408xi32, #tpu.memory_space<hbm>>, %arg3: memref<512x784x100xi32, #tpu.memory_space<hbm>>, %arg4: memref<12544xi32, #tpu.memory_space<vmem>>, %arg5: memref<784x100xi32, #tpu.memory_space<vmem>>, %arg6: memref<!tpu.dma_semaphore, #tpu.memory_space<semaphore_mem>>) attributes {dimension_semantics = [#tpu.dimension_semantics<core_parallel>, #tpu.dimension_semantics<subcore_parallel>], iteration_bounds = array<i64: 2, 16>, scalar_prefetch = 0 : i64, scratch_operands = 3 : i64, tpu.core_type = #tpu.core_type<sc_vector_subcore>, window_params = [{transform_indices = #map}, {transform_indices = #map1}]} {
    %mul3A = arith.constant 2 : i32
    %mul3A_0 = arith.muli %arg1, %mul3A : i32
    %add3A = arith.addi %mul3A_0, %arg0 : i32
    %mul3A_1 = arith.constant 16 : i32
    %mul3A_2 = arith.muli %add3A, %mul3A_1 : i32
    %mul3A_3 = arith.constant 784 : i32
    %mul3A_4 = arith.muli %mul3A_2, %mul3A_3 : i32
    "tpu.region"() ({
      %run_scoped3A = tpu.sem_alloc : memref<!tpu.dma_semaphore, #tpu.memory_space<semaphore_mem>>
      %dma_start3A = tpu.memref_slice %arg2[%mul3A_4] : memref<401408xi32, #tpu.memory_space<hbm>> -> memref<12544xi32, #tpu.memory_space<hbm>>
      %dma_start3A_19 = tpu.memref_slice %arg2[%mul3A_4] : memref<401408xi32, #tpu.memory_space<hbm>> -> memref<12544xi32, #tpu.memory_space<hbm>>
      tpu.enqueue_dma source(%dma_start3A_19 : memref<12544xi32, #tpu.memory_space<hbm>>) target(%arg4 : memref<12544xi32, #tpu.memory_space<vmem>>) target_semaphore(%run_scoped3A : memref<!tpu.dma_semaphore, #tpu.memory_space<semaphore_mem>>)
      %dma_wait3A = tpu.memref_slice %arg2[%mul3A_4] : memref<401408xi32, #tpu.memory_space<hbm>> -> memref<12544xi32, #tpu.memory_space<hbm>>
      %dma_wait3A_20 = tpu.memref_slice %arg2[%mul3A_4] : memref<401408xi32, #tpu.memory_space<hbm>> -> memref<12544xi32, #tpu.memory_space<hbm>>
      tpu.wait_dma2 semaphore(%run_scoped3A : memref<!tpu.dma_semaphore, #tpu.memory_space<semaphore_mem>>) src(%dma_wait3A_20 : memref<12544xi32, #tpu.memory_space<hbm>>) dst(%arg4 : memref<12544xi32, #tpu.memory_space<vmem>>)
      tpu.yield
    }) : () -> ()
    %iota3A = tpu.iota {dimensions = array<i32: 0>} : vector<16xi32>
    %broadcast_in_dim3A = arith.constant 1 : i32
    %broadcast_in_dim3A_5 = vector.broadcast %broadcast_in_dim3A : i32 to vector<16xi32>
    %broadcast_in_dim3A_6 = arith.constant 0 : i32
    %broadcast_in_dim3A_7 = vector.broadcast %broadcast_in_dim3A_6 : i32 to vector<16xi32>
    %scan3A = arith.constant 0 : i32
    %scan3A_8 = arith.constant 0 : i32
    %scan3A_9 = arith.constant 784 : i32
    %scan3A_10 = arith.addi %scan3A_8, %scan3A_9 : i32
    %scan3A_11 = arith.constant 1 : i32
    scf.for %scan3A_19 = %scan3A_8 to %scan3A_10 step %scan3A_11  : i32 {
      %broadcast_in_dim3A_20 = vector.broadcast %scan3A_19 : i32 to vector<16xi32>
      %add3A_21 = arith.constant 0 : i32
      %add3A_22 = vector.broadcast %add3A_21 : i32 to vector<16xi32>
      %add3A_23 = arith.addi %iota3A, %add3A_22 : vector<16xi32>
      %lt3A = arith.constant 100 : i32
      %lt3A_24 = vector.broadcast %lt3A : i32 to vector<16xi32>
      %lt3A_25 = arith.cmpi slt, %add3A_23, %lt3A_24 : vector<16xi32>
      tpu.vector_store_idx %arg5[%broadcast_in_dim3A_20, %add3A_23], %broadcast_in_dim3A_7 masked %lt3A_25 : memref<784x100xi32, #tpu.memory_space<vmem>>[vector<16xi32>, vector<16xi32>], vector<16xi32>, vector<16xi1>
      %add3A_26 = arith.constant 16 : i32
      %add3A_27 = vector.broadcast %add3A_26 : i32 to vector<16xi32>
      %add3A_28 = arith.addi %iota3A, %add3A_27 : vector<16xi32>
      %lt3A_29 = arith.constant 100 : i32
      %lt3A_30 = vector.broadcast %lt3A_29 : i32 to vector<16xi32>
      %lt3A_31 = arith.cmpi slt, %add3A_28, %lt3A_30 : vector<16xi32>
      tpu.vector_store_idx %arg5[%broadcast_in_dim3A_20, %add3A_28], %broadcast_in_dim3A_7 masked %lt3A_31 : memref<784x100xi32, #tpu.memory_space<vmem>>[vector<16xi32>, vector<16xi32>], vector<16xi32>, vector<16xi1>
      %add3A_32 = arith.constant 32 : i32
      %add3A_33 = vector.broadcast %add3A_32 : i32 to vector<16xi32>
      %add3A_34 = arith.addi %iota3A, %add3A_33 : vector<16xi32>
      %lt3A_35 = arith.constant 100 : i32
      %lt3A_36 = vector.broadcast %lt3A_35 : i32 to vector<16xi32>
      %lt3A_37 = arith.cmpi slt, %add3A_34, %lt3A_36 : vector<16xi32>
      tpu.vector_store_idx %arg5[%broadcast_in_dim3A_20, %add3A_34], %broadcast_in_dim3A_7 masked %lt3A_37 : memref<784x100xi32, #tpu.memory_space<vmem>>[vector<16xi32>, vector<16xi32>], vector<16xi32>, vector<16xi1>
      %add3A_38 = arith.constant 48 : i32
      %add3A_39 = vector.broadcast %add3A_38 : i32 to vector<16xi32>
      %add3A_40 = arith.addi %iota3A, %add3A_39 : vector<16xi32>
      %lt3A_41 = arith.constant 100 : i32
      %lt3A_42 = vector.broadcast %lt3A_41 : i32 to vector<16xi32>
      %lt3A_43 = arith.cmpi slt, %add3A_40, %lt3A_42 : vector<16xi32>
      tpu.vector_store_idx %arg5[%broadcast_in_dim3A_20, %add3A_40], %broadcast_in_dim3A_7 masked %lt3A_43 : memref<784x100xi32, #tpu.memory_space<vmem>>[vector<16xi32>, vector<16xi32>], vector<16xi32>, vector<16xi1>
      %add3A_44 = arith.constant 64 : i32
      %add3A_45 = vector.broadcast %add3A_44 : i32 to vector<16xi32>
      %add3A_46 = arith.addi %iota3A, %add3A_45 : vector<16xi32>
      %lt3A_47 = arith.constant 100 : i32
      %lt3A_48 = vector.broadcast %lt3A_47 : i32 to vector<16xi32>
      %lt3A_49 = arith.cmpi slt, %add3A_46, %lt3A_48 : vector<16xi32>
      tpu.vector_store_idx %arg5[%broadcast_in_dim3A_20, %add3A_46], %broadcast_in_dim3A_7 masked %lt3A_49 : memref<784x100xi32, #tpu.memory_space<vmem>>[vector<16xi32>, vector<16xi32>], vector<16xi32>, vector<16xi1>
      %add3A_50 = arith.constant 80 : i32
      %add3A_51 = vector.broadcast %add3A_50 : i32 to vector<16xi32>
      %add3A_52 = arith.addi %iota3A, %add3A_51 : vector<16xi32>
      %lt3A_53 = arith.constant 100 : i32
      %lt3A_54 = vector.broadcast %lt3A_53 : i32 to vector<16xi32>
      %lt3A_55 = arith.cmpi slt, %add3A_52, %lt3A_54 : vector<16xi32>
      tpu.vector_store_idx %arg5[%broadcast_in_dim3A_20, %add3A_52], %broadcast_in_dim3A_7 masked %lt3A_55 : memref<784x100xi32, #tpu.memory_space<vmem>>[vector<16xi32>, vector<16xi32>], vector<16xi32>, vector<16xi1>
      %add3A_56 = arith.constant 96 : i32
      %add3A_57 = vector.broadcast %add3A_56 : i32 to vector<16xi32>
      %add3A_58 = arith.addi %iota3A, %add3A_57 : vector<16xi32>
      %lt3A_59 = arith.constant 100 : i32
      %lt3A_60 = vector.broadcast %lt3A_59 : i32 to vector<16xi32>
      %lt3A_61 = arith.cmpi slt, %add3A_58, %lt3A_60 : vector<16xi32>
      tpu.vector_store_idx %arg5[%broadcast_in_dim3A_20, %add3A_58], %broadcast_in_dim3A_7 masked %lt3A_61 : memref<784x100xi32, #tpu.memory_space<vmem>>[vector<16xi32>, vector<16xi32>], vector<16xi32>, vector<16xi1>
    }
    %scan3A_12 = arith.constant 784 : i32
    %scan3A_13 = arith.constant 0 : i32
    %scan3A_14 = arith.constant 0 : i32
    %scan3A_15 = arith.constant 16 : i32
    %scan3A_16 = arith.addi %scan3A_14, %scan3A_15 : i32
    %scan3A_17 = arith.constant 1 : i32
    scf.for %scan3A_19 = %scan3A_14 to %scan3A_16 step %scan3A_17  : i32 {
      %mul3A_20 = arith.constant 784 : i32
      %mul3A_21 = arith.muli %scan3A_19, %mul3A_20 : i32
      %add3A_22 = arith.constant 0 : i32
      %add3A_23 = arith.addi %mul3A_21, %add3A_22 : i32
      %get3A = arith.index_cast %add3A_23 : i32 to index
      %get3A_24 = tpu.vector_load %arg4[%get3A] {strides = array<i32>} : memref<12544xi32, #tpu.memory_space<vmem>>, vector<16xi32>,
      %ge3A = arith.constant 0 : i32
      %ge3A_25 = vector.broadcast %ge3A : i32 to vector<16xi32>
      %ge3A_26 = arith.cmpi sge, %get3A_24, %ge3A_25 : vector<16xi32>
      %lt3A = arith.constant 100 : i32
      %lt3A_27 = vector.broadcast %lt3A : i32 to vector<16xi32>
      %lt3A_28 = arith.cmpi slt, %get3A_24, %lt3A_27 : vector<16xi32>
      %and3A = arith.andi %ge3A_26, %lt3A_28 : vector<16xi1>
      %add3A_29 = arith.constant 0 : i32
      %add3A_30 = vector.broadcast %add3A_29 : i32 to vector<16xi32>
      %add3A_31 = arith.addi %iota3A, %add3A_30 : vector<16xi32>
      tpu.vector_store_idx %arg5[%add3A_31, %get3A_24], %broadcast_in_dim3A_5 masked %and3A : memref<784x100xi32, #tpu.memory_space<vmem>>[vector<16xi32>, vector<16xi32>], vector<16xi32>, vector<16xi1>
      %add3A_32 = arith.constant 16 : i32
      %add3A_33 = arith.addi %mul3A_21, %add3A_32 : i32
      %get3A_34 = arith.index_cast %add3A_33 : i32 to index
      %get3A_35 = tpu.vector_load %arg4[%get3A_34] {strides = array<i32>} : memref<12544xi32, #tpu.memory_space<vmem>>, vector<16xi32>,
      %ge3A_36 = arith.constant 0 : i32
      %ge3A_37 = vector.broadcast %ge3A_36 : i32 to vector<16xi32>
      %ge3A_38 = arith.cmpi sge, %get3A_35, %ge3A_37 : vector<16xi32>
      %lt3A_39 = arith.constant 100 : i32
      %lt3A_40 = vector.broadcast %lt3A_39 : i32 to vector<16xi32>
      %lt3A_41 = arith.cmpi slt, %get3A_35, %lt3A_40 : vector<16xi32>
      %and3A_42 = arith.andi %ge3A_38, %lt3A_41 : vector<16xi1>
      %add3A_43 = arith.constant 16 : i32
      %add3A_44 = vector.broadcast %add3A_43 : i32 to vector<16xi32>
      %add3A_45 = arith.addi %iota3A, %add3A_44 : vector<16xi32>
      tpu.vector_store_idx %arg5[%add3A_45, %get3A_35], %broadcast_in_dim3A_5 masked %and3A_42 : memref<784x100xi32, #tpu.memory_space<vmem>>[vector<16xi32>, vector<16xi32>], vector<16xi32>, vector<16xi1>
      %add3A_46 = arith.constant 32 : i32
      %add3A_47 = arith.addi %mul3A_21, %add3A_46 : i32
      %get3A_48 = arith.index_cast %add3A_47 : i32 to index
      %get3A_49 = tpu.vector_load %arg4[%get3A_48] {strides = array<i32>} : memref<12544xi32, #tpu.memory_space<vmem>>, vector<16xi32>,
      %ge3A_50 = arith.constant 0 : i32
      %ge3A_51 = vector.broadcast %ge3A_50 : i32 to vector<16xi32>
      %ge3A_52 = arith.cmpi sge, %get3A_49, %ge3A_51 : vector<16xi32>
      %lt3A_53 = arith.constant 100 : i32
      %lt3A_54 = vector.broadcast %lt3A_53 : i32 to vector<16xi32>
      %lt3A_55 = arith.cmpi slt, %get3A_49, %lt3A_54 : vector<16xi32>
      %and3A_56 = arith.andi %ge3A_52, %lt3A_55 : vector<16xi1>
      %add3A_57 = arith.constant 32 : i32
      %add3A_58 = vector.broadcast %add3A_57 : i32 to vector<16xi32>
      %add3A_59 = arith.addi %iota3A, %add3A_58 : vector<16xi32>
      tpu.vector_store_idx %arg5[%add3A_59, %get3A_49], %broadcast_in_dim3A_5 masked %and3A_56 : memref<784x100xi32, #tpu.memory_space<vmem>>[vector<16xi32>, vector<16xi32>], vector<16xi32>, vector<16xi1>
      %add3A_60 = arith.constant 48 : i32
      %add3A_61 = arith.addi %mul3A_21, %add3A_60 : i32
      %get3A_62 = arith.index_cast %add3A_61 : i32 to index
      %get3A_63 = tpu.vector_load %arg4[%get3A_62] {strides = array<i32>} : memref<12544xi32, #tpu.memory_space<vmem>>, vector<16xi32>,
      %ge3A_64 = arith.constant 0 : i32
      %ge3A_65 = vector.broadcast %ge3A_64 : i32 to vector<16xi32>
      %ge3A_66 = arith.cmpi sge, %get3A_63, %ge3A_65 : vector<16xi32>
      %lt3A_67 = arith.constant 100 : i32
      %lt3A_68 = vector.broadcast %lt3A_67 : i32 to vector<16xi32>
      %lt3A_69 = arith.cmpi slt, %get3A_63, %lt3A_68 : vector<16xi32>
      %and3A_70 = arith.andi %ge3A_66, %lt3A_69 : vector<16xi1>
      %add3A_71 = arith.constant 48 : i32
      %add3A_72 = vector.broadcast %add3A_71 : i32 to vector<16xi32>
      %add3A_73 = arith.addi %iota3A, %add3A_72 : vector<16xi32>
      tpu.vector_store_idx %arg5[%add3A_73, %get3A_63], %broadcast_in_dim3A_5 masked %and3A_70 : memref<784x100xi32, #tpu.memory_space<vmem>>[vector<16xi32>, vector<16xi32>], vector<16xi32>, vector<16xi1>
      %add3A_74 = arith.constant 64 : i32
      %add3A_75 = arith.addi %mul3A_21, %add3A_74 : i32
      %get3A_76 = arith.index_cast %add3A_75 : i32 to index
      %get3A_77 = tpu.vector_load %arg4[%get3A_76] {strides = array<i32>} : memref<12544xi32, #tpu.memory_space<vmem>>, vector<16xi32>,
      %ge3A_78 = arith.constant 0 : i32
      %ge3A_79 = vector.broadcast %ge3A_78 : i32 to vector<16xi32>
      %ge3A_80 = arith.cmpi sge, %get3A_77, %ge3A_79 : vector<16xi32>
      %lt3A_81 = arith.constant 100 : i32
      %lt3A_82 = vector.broadcast %lt3A_81 : i32 to vector<16xi32>
      %lt3A_83 = arith.cmpi slt, %get3A_77, %lt3A_82 : vector<16xi32>
      %and3A_84 = arith.andi %ge3A_80, %lt3A_83 : vector<16xi1>
      %add3A_85 = arith.constant 64 : i32
      %add3A_86 = vector.broadcast %add3A_85 : i32 to vector<16xi32>
      %add3A_87 = arith.addi %iota3A, %add3A_86 : vector<16xi32>
      tpu.vector_store_idx %arg5[%add3A_87, %get3A_77], %broadcast_in_dim3A_5 masked %and3A_84 : memref<784x100xi32, #tpu.memory_space<vmem>>[vector<16xi32>, vector<16xi32>], vector<16xi32>, vector<16xi1>
      %add3A_88 = arith.constant 80 : i32
      %add3A_89 = arith.addi %mul3A_21, %add3A_88 : i32
      %get3A_90 = arith.index_cast %add3A_89 : i32 to index
      %get3A_91 = tpu.vector_load %arg4[%get3A_90] {strides = array<i32>} : memref<12544xi32, #tpu.memory_space<vmem>>, vector<16xi32>,
      %ge3A_92 = arith.constant 0 : i32
      %ge3A_93 = vector.broadcast %ge3A_92 : i32 to vector<16xi32>
      %ge3A_94 = arith.cmpi sge, %get3A_91, %ge3A_93 : vector<16xi32>
      %lt3A_95 = arith.constant 100 : i32
      %lt3A_96 = vector.broadcast %lt3A_95 : i32 to vector<16xi32>
      %lt3A_97 = arith.cmpi slt, %get3A_91, %lt3A_96 : vector<16xi32>
      %and3A_98 = arith.andi %ge3A_94, %lt3A_97 : vector<16xi1>
      %add3A_99 = arith.constant 80 : i32
      %add3A_100 = vector.broadcast %add3A_99 : i32 to vector<16xi32>
      %add3A_101 = arith.addi %iota3A, %add3A_100 : vector<16xi32>
      tpu.vector_store_idx %arg5[%add3A_101, %get3A_91], %broadcast_in_dim3A_5 masked %and3A_98 : memref<784x100xi32, #tpu.memory_space<vmem>>[vector<16xi32>, vector<16xi32>], vector<16xi32>, vector<16xi1>
      %add3A_102 = arith.constant 96 : i32
      %add3A_103 = arith.addi %mul3A_21, %add3A_102 : i32
      %get3A_104 = arith.index_cast %add3A_103 : i32 to index
      %get3A_105 = tpu.vector_load %arg4[%get3A_104] {strides = array<i32>} : memref<12544xi32, #tpu.memory_space<vmem>>, vector<16xi32>,
      %ge3A_106 = arith.constant 0 : i32
      %ge3A_107 = vector.broadcast %ge3A_106 : i32 to vector<16xi32>
      %ge3A_108 = arith.cmpi sge, %get3A_105, %ge3A_107 : vector<16xi32>
      %lt3A_109 = arith.constant 100 : i32
      %lt3A_110 = vector.broadcast %lt3A_109 : i32 to vector<16xi32>
      %lt3A_111 = arith.cmpi slt, %get3A_105, %lt3A_110 : vector<16xi32>
      %and3A_112 = arith.andi %ge3A_108, %lt3A_111 : vector<16xi1>
      %add3A_113 = arith.constant 96 : i32
      %add3A_114 = vector.broadcast %add3A_113 : i32 to vector<16xi32>
      %add3A_115 = arith.addi %iota3A, %add3A_114 : vector<16xi32>
      tpu.vector_store_idx %arg5[%add3A_115, %get3A_105], %broadcast_in_dim3A_5 masked %and3A_112 : memref<784x100xi32, #tpu.memory_space<vmem>>[vector<16xi32>, vector<16xi32>], vector<16xi32>, vector<16xi1>
      %add3A_116 = arith.constant 112 : i32
      %add3A_117 = arith.addi %mul3A_21, %add3A_116 : i32
      %get3A_118 = arith.index_cast %add3A_117 : i32 to index
      %get3A_119 = tpu.vector_load %arg4[%get3A_118] {strides = array<i32>} : memref<12544xi32, #tpu.memory_space<vmem>>, vector<16xi32>,
      %ge3A_120 = arith.constant 0 : i32
      %ge3A_121 = vector.broadcast %ge3A_120 : i32 to vector<16xi32>
      %ge3A_122 = arith.cmpi sge, %get3A_119, %ge3A_121 : vector<16xi32>
      %lt3A_123 = arith.constant 100 : i32
      %lt3A_124 = vector.broadcast %lt3A_123 : i32 to vector<16xi32>
      %lt3A_125 = arith.cmpi slt, %get3A_119, %lt3A_124 : vector<16xi32>
      %and3A_126 = arith.andi %ge3A_122, %lt3A_125 : vector<16xi1>
      %add3A_127 = arith.constant 112 : i32
      %add3A_128 = vector.broadcast %add3A_127 : i32 to vector<16xi32>
      %add3A_129 = arith.addi %iota3A, %add3A_128 : vector<16xi32>
      tpu.vector_store_idx %arg5[%add3A_129, %get3A_119], %broadcast_in_dim3A_5 masked %and3A_126 : memref<784x100xi32, #tpu.memory_space<vmem>>[vector<16xi32>, vector<16xi32>], vector<16xi32>, vector<16xi1>
      %add3A_130 = arith.constant 128 : i32
      %add3A_131 = arith.addi %mul3A_21, %add3A_130 : i32
      %get3A_132 = arith.index_cast %add3A_131 : i32 to index
      %get3A_133 = tpu.vector_load %arg4[%get3A_132] {strides = array<i32>} : memref<12544xi32, #tpu.memory_space<vmem>>, vector<16xi32>,
      %ge3A_134 = arith.constant 0 : i32
      %ge3A_135 = vector.broadcast %ge3A_134 : i32 to vector<16xi32>
      %ge3A_136 = arith.cmpi sge, %get3A_133, %ge3A_135 : vector<16xi32>
      %lt3A_137 = arith.constant 100 : i32
      %lt3A_138 = vector.broadcast %lt3A_137 : i32 to vector<16xi32>
      %lt3A_139 = arith.cmpi slt, %get3A_133, %lt3A_138 : vector<16xi32>
      %and3A_140 = arith.andi %ge3A_136, %lt3A_139 : vector<16xi1>
      %add3A_141 = arith.constant 128 : i32
      %add3A_142 = vector.broadcast %add3A_141 : i32 to vector<16xi32>
      %add3A_143 = arith.addi %iota3A, %add3A_142 : vector<16xi32>
      tpu.vector_store_idx %arg5[%add3A_143, %get3A_133], %broadcast_in_dim3A_5 masked %and3A_140 : memref<784x100xi32, #tpu.memory_space<vmem>>[vector<16xi32>, vector<16xi32>], vector<16xi32>, vector<16xi1>
      %add3A_144 = arith.constant 144 : i32
      %add3A_145 = arith.addi %mul3A_21, %add3A_144 : i32
      %get3A_146 = arith.index_cast %add3A_145 : i32 to index
      %get3A_147 = tpu.vector_load %arg4[%get3A_146] {strides = array<i32>} : memref<12544xi32, #tpu.memory_space<vmem>>, vector<16xi32>,
      %ge3A_148 = arith.constant 0 : i32
      %ge3A_149 = vector.broadcast %ge3A_148 : i32 to vector<16xi32>
      %ge3A_150 = arith.cmpi sge, %get3A_147, %ge3A_149 : vector<16xi32>
      %lt3A_151 = arith.constant 100 : i32
      %lt3A_152 = vector.broadcast %lt3A_151 : i32 to vector<16xi32>
      %lt3A_153 = arith.cmpi slt, %get3A_147, %lt3A_152 : vector<16xi32>
      %and3A_154 = arith.andi %ge3A_150, %lt3A_153 : vector<16xi1>
      %add3A_155 = arith.constant 144 : i32
      %add3A_156 = vector.broadcast %add3A_155 : i32 to vector<16xi32>
      %add3A_157 = arith.addi %iota3A, %add3A_156 : vector<16xi32>
      tpu.vector_store_idx %arg5[%add3A_157, %get3A_147], %broadcast_in_dim3A_5 masked %and3A_154 : memref<784x100xi32, #tpu.memory_space<vmem>>[vector<16xi32>, vector<16xi32>], vector<16xi32>, vector<16xi1>
      %add3A_158 = arith.constant 160 : i32
      %add3A_159 = arith.addi %mul3A_21, %add3A_158 : i32
      %get3A_160 = arith.index_cast %add3A_159 : i32 to index
      %get3A_161 = tpu.vector_load %arg4[%get3A_160] {strides = array<i32>} : memref<12544xi32, #tpu.memory_space<vmem>>, vector<16xi32>,
      %ge3A_162 = arith.constant 0 : i32
      %ge3A_163 = vector.broadcast %ge3A_162 : i32 to vector<16xi32>
      %ge3A_164 = arith.cmpi sge, %get3A_161, %ge3A_163 : vector<16xi32>
      %lt3A_165 = arith.constant 100 : i32
      %lt3A_166 = vector.broadcast %lt3A_165 : i32 to vector<16xi32>
      %lt3A_167 = arith.cmpi slt, %get3A_161, %lt3A_166 : vector<16xi32>
      %and3A_168 = arith.andi %ge3A_164, %lt3A_167 : vector<16xi1>
      %add3A_169 = arith.constant 160 : i32
      %add3A_170 = vector.broadcast %add3A_169 : i32 to vector<16xi32>
      %add3A_171 = arith.addi %iota3A, %add3A_170 : vector<16xi32>
      tpu.vector_store_idx %arg5[%add3A_171, %get3A_161], %broadcast_in_dim3A_5 masked %and3A_168 : memref<784x100xi32, #tpu.memory_space<vmem>>[vector<16xi32>, vector<16xi32>], vector<16xi32>, vector<16xi1>
      %add3A_172 = arith.constant 176 : i32
      %add3A_173 = arith.addi %mul3A_21, %add3A_172 : i32
      %get3A_174 = arith.index_cast %add3A_173 : i32 to index
      %get3A_175 = tpu.vector_load %arg4[%get3A_174] {strides = array<i32>} : memref<12544xi32, #tpu.memory_space<vmem>>, vector<16xi32>,
      %ge3A_176 = arith.constant 0 : i32
      %ge3A_177 = vector.broadcast %ge3A_176 : i32 to vector<16xi32>
      %ge3A_178 = arith.cmpi sge, %get3A_175, %ge3A_177 : vector<16xi32>
      %lt3A_179 = arith.constant 100 : i32
      %lt3A_180 = vector.broadcast %lt3A_179 : i32 to vector<16xi32>
      %lt3A_181 = arith.cmpi slt, %get3A_175, %lt3A_180 : vector<16xi32>
      %and3A_182 = arith.andi %ge3A_178, %lt3A_181 : vector<16xi1>
      %add3A_183 = arith.constant 176 : i32
      %add3A_184 = vector.broadcast %add3A_183 : i32 to vector<16xi32>
      %add3A_185 = arith.addi %iota3A, %add3A_184 : vector<16xi32>
      tpu.vector_store_idx %arg5[%add3A_185, %get3A_175], %broadcast_in_dim3A_5 masked %and3A_182 : memref<784x100xi32, #tpu.memory_space<vmem>>[vector<16xi32>, vector<16xi32>], vector<16xi32>, vector<16xi1>
      %add3A_186 = arith.constant 192 : i32
      %add3A_187 = arith.addi %mul3A_21, %add3A_186 : i32
      %get3A_188 = arith.index_cast %add3A_187 : i32 to index
      %get3A_189 = tpu.vector_load %arg4[%get3A_188] {strides = array<i32>} : memref<12544xi32, #tpu.memory_space<vmem>>, vector<16xi32>,
      %ge3A_190 = arith.constant 0 : i32
      %ge3A_191 = vector.broadcast %ge3A_190 : i32 to vector<16xi32>
      %ge3A_192 = arith.cmpi sge, %get3A_189, %ge3A_191 : vector<16xi32>
      %lt3A_193 = arith.constant 100 : i32
      %lt3A_194 = vector.broadcast %lt3A_193 : i32 to vector<16xi32>
      %lt3A_195 = arith.cmpi slt, %get3A_189, %lt3A_194 : vector<16xi32>
      %and3A_196 = arith.andi %ge3A_192, %lt3A_195 : vector<16xi1>
      %add3A_197 = arith.constant 192 : i32
      %add3A_198 = vector.broadcast %add3A_197 : i32 to vector<16xi32>
      %add3A_199 = arith.addi %iota3A, %add3A_198 : vector<16xi32>
      tpu.vector_store_idx %arg5[%add3A_199, %get3A_189], %broadcast_in_dim3A_5 masked %and3A_196 : memref<784x100xi32, #tpu.memory_space<vmem>>[vector<16xi32>, vector<16xi32>], vector<16xi32>, vector<16xi1>
      %add3A_200 = arith.constant 208 : i32
      %add3A_201 = arith.addi %mul3A_21, %add3A_200 : i32
      %get3A_202 = arith.index_cast %add3A_201 : i32 to index
      %get3A_203 = tpu.vector_load %arg4[%get3A_202] {strides = array<i32>} : memref<12544xi32, #tpu.memory_space<vmem>>, vector<16xi32>,
      %ge3A_204 = arith.constant 0 : i32
      %ge3A_205 = vector.broadcast %ge3A_204 : i32 to vector<16xi32>
      %ge3A_206 = arith.cmpi sge, %get3A_203, %ge3A_205 : vector<16xi32>
      %lt3A_207 = arith.constant 100 : i32
      %lt3A_208 = vector.broadcast %lt3A_207 : i32 to vector<16xi32>
      %lt3A_209 = arith.cmpi slt, %get3A_203, %lt3A_208 : vector<16xi32>
      %and3A_210 = arith.andi %ge3A_206, %lt3A_209 : vector<16xi1>
      %add3A_211 = arith.constant 208 : i32
      %add3A_212 = vector.broadcast %add3A_211 : i32 to vector<16xi32>
      %add3A_213 = arith.addi %iota3A, %add3A_212 : vector<16xi32>
      tpu.vector_store_idx %arg5[%add3A_213, %get3A_203], %broadcast_in_dim3A_5 masked %and3A_210 : memref<784x100xi32, #tpu.memory_space<vmem>>[vector<16xi32>, vector<16xi32>], vector<16xi32>, vector<16xi1>
      %add3A_214 = arith.constant 224 : i32
      %add3A_215 = arith.addi %mul3A_21, %add3A_214 : i32
      %get3A_216 = arith.index_cast %add3A_215 : i32 to index
      %get3A_217 = tpu.vector_load %arg4[%get3A_216] {strides = array<i32>} : memref<12544xi32, #tpu.memory_space<vmem>>, vector<16xi32>,
      %ge3A_218 = arith.constant 0 : i32
      %ge3A_219 = vector.broadcast %ge3A_218 : i32 to vector<16xi32>
      %ge3A_220 = arith.cmpi sge, %get3A_217, %ge3A_219 : vector<16xi32>
      %lt3A_221 = arith.constant 100 : i32
      %lt3A_222 = vector.broadcast %lt3A_221 : i32 to vector<16xi32>
      %lt3A_223 = arith.cmpi slt, %get3A_217, %lt3A_222 : vector<16xi32>
      %and3A_224 = arith.andi %ge3A_220, %lt3A_223 : vector<16xi1>
      %add3A_225 = arith.constant 224 : i32
      %add3A_226 = vector.broadcast %add3A_225 : i32 to vector<16xi32>
      %add3A_227 = arith.addi %iota3A, %add3A_226 : vector<16xi32>
      tpu.vector_store_idx %arg5[%add3A_227, %get3A_217], %broadcast_in_dim3A_5 masked %and3A_224 : memref<784x100xi32, #tpu.memory_space<vmem>>[vector<16xi32>, vector<16xi32>], vector<16xi32>, vector<16xi1>
      %add3A_228 = arith.constant 240 : i32
      %add3A_229 = arith.addi %mul3A_21, %add3A_228 : i32
      %get3A_230 = arith.index_cast %add3A_229 : i32 to index
      %get3A_231 = tpu.vector_load %arg4[%get3A_230] {strides = array<i32>} : memref<12544xi32, #tpu.memory_space<vmem>>, vector<16xi32>,
      %ge3A_232 = arith.constant 0 : i32
      %ge3A_233 = vector.broadcast %ge3A_232 : i32 to vector<16xi32>
      %ge3A_234 = arith.cmpi sge, %get3A_231, %ge3A_233 : vector<16xi32>
      %lt3A_235 = arith.constant 100 : i32
      %lt3A_236 = vector.broadcast %lt3A_235 : i32 to vector<16xi32>
      %lt3A_237 = arith.cmpi slt, %get3A_231, %lt3A_236 : vector<16xi32>
      %and3A_238 = arith.andi %ge3A_234, %lt3A_237 : vector<16xi1>
      %add3A_239 = arith.constant 240 : i32
      %add3A_240 = vector.broadcast %add3A_239 : i32 to vector<16xi32>
      %add3A_241 = arith.addi %iota3A, %add3A_240 : vector<16xi32>
      tpu.vector_store_idx %arg5[%add3A_241, %get3A_231], %broadcast_in_dim3A_5 masked %and3A_238 : memref<784x100xi32, #tpu.memory_space<vmem>>[vector<16xi32>, vector<16xi32>], vector<16xi32>, vector<16xi1>
      %add3A_242 = arith.constant 256 : i32
      %add3A_243 = arith.addi %mul3A_21, %add3A_242 : i32
      %get3A_244 = arith.index_cast %add3A_243 : i32 to index
      %get3A_245 = tpu.vector_load %arg4[%get3A_244] {strides = array<i32>} : memref<12544xi32, #tpu.memory_space<vmem>>, vector<16xi32>,
      %ge3A_246 = arith.constant 0 : i32
      %ge3A_247 = vector.broadcast %ge3A_246 : i32 to vector<16xi32>
      %ge3A_248 = arith.cmpi sge, %get3A_245, %ge3A_247 : vector<16xi32>
      %lt3A_249 = arith.constant 100 : i32
      %lt3A_250 = vector.broadcast %lt3A_249 : i32 to vector<16xi32>
      %lt3A_251 = arith.cmpi slt, %get3A_245, %lt3A_250 : vector<16xi32>
      %and3A_252 = arith.andi %ge3A_248, %lt3A_251 : vector<16xi1>
      %add3A_253 = arith.constant 256 : i32
      %add3A_254 = vector.broadcast %add3A_253 : i32 to vector<16xi32>
      %add3A_255 = arith.addi %iota3A, %add3A_254 : vector<16xi32>
      tpu.vector_store_idx %arg5[%add3A_255, %get3A_245], %broadcast_in_dim3A_5 masked %and3A_252 : memref<784x100xi32, #tpu.memory_space<vmem>>[vector<16xi32>, vector<16xi32>], vector<16xi32>, vector<16xi1>
      %add3A_256 = arith.constant 272 : i32
      %add3A_257 = arith.addi %mul3A_21, %add3A_256 : i32
      %get3A_258 = arith.index_cast %add3A_257 : i32 to index
      %get3A_259 = tpu.vector_load %arg4[%get3A_258] {strides = array<i32>} : memref<12544xi32, #tpu.memory_space<vmem>>, vector<16xi32>,
      %ge3A_260 = arith.constant 0 : i32
      %ge3A_261 = vector.broadcast %ge3A_260 : i32 to vector<16xi32>
      %ge3A_262 = arith.cmpi sge, %get3A_259, %ge3A_261 : vector<16xi32>
      %lt3A_263 = arith.constant 100 : i32
      %lt3A_264 = vector.broadcast %lt3A_263 : i32 to vector<16xi32>
      %lt3A_265 = arith.cmpi slt, %get3A_259, %lt3A_264 : vector<16xi32>
      %and3A_266 = arith.andi %ge3A_262, %lt3A_265 : vector<16xi1>
      %add3A_267 = arith.constant 272 : i32
      %add3A_268 = vector.broadcast %add3A_267 : i32 to vector<16xi32>
      %add3A_269 = arith.addi %iota3A, %add3A_268 : vector<16xi32>
      tpu.vector_store_idx %arg5[%add3A_269, %get3A_259], %broadcast_in_dim3A_5 masked %and3A_266 : memref<784x100xi32, #tpu.memory_space<vmem>>[vector<16xi32>, vector<16xi32>], vector<16xi32>, vector<16xi1>
      %add3A_270 = arith.constant 288 : i32
      %add3A_271 = arith.addi %mul3A_21, %add3A_270 : i32
      %get3A_272 = arith.index_cast %add3A_271 : i32 to index
      %get3A_273 = tpu.vector_load %arg4[%get3A_272] {strides = array<i32>} : memref<12544xi32, #tpu.memory_space<vmem>>, vector<16xi32>,
      %ge3A_274 = arith.constant 0 : i32
      %ge3A_275 = vector.broadcast %ge3A_274 : i32 to vector<16xi32>
      %ge3A_276 = arith.cmpi sge, %get3A_273, %ge3A_275 : vector<16xi32>
      %lt3A_277 = arith.constant 100 : i32
      %lt3A_278 = vector.broadcast %lt3A_277 : i32 to vector<16xi32>
      %lt3A_279 = arith.cmpi slt, %get3A_273, %lt3A_278 : vector<16xi32>
      %and3A_280 = arith.andi %ge3A_276, %lt3A_279 : vector<16xi1>
      %add3A_281 = arith.constant 288 : i32
      %add3A_282 = vector.broadcast %add3A_281 : i32 to vector<16xi32>
      %add3A_283 = arith.addi %iota3A, %add3A_282 : vector<16xi32>
      tpu.vector_store_idx %arg5[%add3A_283, %get3A_273], %broadcast_in_dim3A_5 masked %and3A_280 : memref<784x100xi32, #tpu.memory_space<vmem>>[vector<16xi32>, vector<16xi32>], vector<16xi32>, vector<16xi1>
      %add3A_284 = arith.constant 304 : i32
      %add3A_285 = arith.addi %mul3A_21, %add3A_284 : i32
      %get3A_286 = arith.index_cast %add3A_285 : i32 to index
      %get3A_287 = tpu.vector_load %arg4[%get3A_286] {strides = array<i32>} : memref<12544xi32, #tpu.memory_space<vmem>>, vector<16xi32>,
      %ge3A_288 = arith.constant 0 : i32
      %ge3A_289 = vector.broadcast %ge3A_288 : i32 to vector<16xi32>
      %ge3A_290 = arith.cmpi sge, %get3A_287, %ge3A_289 : vector<16xi32>
      %lt3A_291 = arith.constant 100 : i32
      %lt3A_292 = vector.broadcast %lt3A_291 : i32 to vector<16xi32>
      %lt3A_293 = arith.cmpi slt, %get3A_287, %lt3A_292 : vector<16xi32>
      %and3A_294 = arith.andi %ge3A_290, %lt3A_293 : vector<16xi1>
      %add3A_295 = arith.constant 304 : i32
      %add3A_296 = vector.broadcast %add3A_295 : i32 to vector<16xi32>
      %add3A_297 = arith.addi %iota3A, %add3A_296 : vector<16xi32>
      tpu.vector_store_idx %arg5[%add3A_297, %get3A_287], %broadcast_in_dim3A_5 masked %and3A_294 : memref<784x100xi32, #tpu.memory_space<vmem>>[vector<16xi32>, vector<16xi32>], vector<16xi32>, vector<16xi1>
      %add3A_298 = arith.constant 320 : i32
      %add3A_299 = arith.addi %mul3A_21, %add3A_298 : i32
      %get3A_300 = arith.index_cast %add3A_299 : i32 to index
      %get3A_301 = tpu.vector_load %arg4[%get3A_300] {strides = array<i32>} : memref<12544xi32, #tpu.memory_space<vmem>>, vector<16xi32>,
      %ge3A_302 = arith.constant 0 : i32
      %ge3A_303 = vector.broadcast %ge3A_302 : i32 to vector<16xi32>
      %ge3A_304 = arith.cmpi sge, %get3A_301, %ge3A_303 : vector<16xi32>
      %lt3A_305 = arith.constant 100 : i32
      %lt3A_306 = vector.broadcast %lt3A_305 : i32 to vector<16xi32>
      %lt3A_307 = arith.cmpi slt, %get3A_301, %lt3A_306 : vector<16xi32>
      %and3A_308 = arith.andi %ge3A_304, %lt3A_307 : vector<16xi1>
      %add3A_309 = arith.constant 320 : i32
      %add3A_310 = vector.broadcast %add3A_309 : i32 to vector<16xi32>
      %add3A_311 = arith.addi %iota3A, %add3A_310 : vector<16xi32>
      tpu.vector_store_idx %arg5[%add3A_311, %get3A_301], %broadcast_in_dim3A_5 masked %and3A_308 : memref<784x100xi32, #tpu.memory_space<vmem>>[vector<16xi32>, vector<16xi32>], vector<16xi32>, vector<16xi1>
      %add3A_312 = arith.constant 336 : i32
      %add3A_313 = arith.addi %mul3A_21, %add3A_312 : i32
      %get3A_314 = arith.index_cast %add3A_313 : i32 to index
      %get3A_315 = tpu.vector_load %arg4[%get3A_314] {strides = array<i32>} : memref<12544xi32, #tpu.memory_space<vmem>>, vector<16xi32>,
      %ge3A_316 = arith.constant 0 : i32
      %ge3A_317 = vector.broadcast %ge3A_316 : i32 to vector<16xi32>
      %ge3A_318 = arith.cmpi sge, %get3A_315, %ge3A_317 : vector<16xi32>
      %lt3A_319 = arith.constant 100 : i32
      %lt3A_320 = vector.broadcast %lt3A_319 : i32 to vector<16xi32>
      %lt3A_321 = arith.cmpi slt, %get3A_315, %lt3A_320 : vector<16xi32>
      %and3A_322 = arith.andi %ge3A_318, %lt3A_321 : vector<16xi1>
      %add3A_323 = arith.constant 336 : i32
      %add3A_324 = vector.broadcast %add3A_323 : i32 to vector<16xi32>
      %add3A_325 = arith.addi %iota3A, %add3A_324 : vector<16xi32>
      tpu.vector_store_idx %arg5[%add3A_325, %get3A_315], %broadcast_in_dim3A_5 masked %and3A_322 : memref<784x100xi32, #tpu.memory_space<vmem>>[vector<16xi32>, vector<16xi32>], vector<16xi32>, vector<16xi1>
      %add3A_326 = arith.constant 352 : i32
      %add3A_327 = arith.addi %mul3A_21, %add3A_326 : i32
      %get3A_328 = arith.index_cast %add3A_327 : i32 to index
      %get3A_329 = tpu.vector_load %arg4[%get3A_328] {strides = array<i32>} : memref<12544xi32, #tpu.memory_space<vmem>>, vector<16xi32>,
      %ge3A_330 = arith.constant 0 : i32
      %ge3A_331 = vector.broadcast %ge3A_330 : i32 to vector<16xi32>
      %ge3A_332 = arith.cmpi sge, %get3A_329, %ge3A_331 : vector<16xi32>
      %lt3A_333 = arith.constant 100 : i32
      %lt3A_334 = vector.broadcast %lt3A_333 : i32 to vector<16xi32>
      %lt3A_335 = arith.cmpi slt, %get3A_329, %lt3A_334 : vector<16xi32>
      %and3A_336 = arith.andi %ge3A_332, %lt3A_335 : vector<16xi1>
      %add3A_337 = arith.constant 352 : i32
      %add3A_338 = vector.broadcast %add3A_337 : i32 to vector<16xi32>
      %add3A_339 = arith.addi %iota3A, %add3A_338 : vector<16xi32>
      tpu.vector_store_idx %arg5[%add3A_339, %get3A_329], %broadcast_in_dim3A_5 masked %and3A_336 : memref<784x100xi32, #tpu.memory_space<vmem>>[vector<16xi32>, vector<16xi32>], vector<16xi32>, vector<16xi1>
      %add3A_340 = arith.constant 368 : i32
      %add3A_341 = arith.addi %mul3A_21, %add3A_340 : i32
      %get3A_342 = arith.index_cast %add3A_341 : i32 to index
      %get3A_343 = tpu.vector_load %arg4[%get3A_342] {strides = array<i32>} : memref<12544xi32, #tpu.memory_space<vmem>>, vector<16xi32>,
      %ge3A_344 = arith.constant 0 : i32
      %ge3A_345 = vector.broadcast %ge3A_344 : i32 to vector<16xi32>
      %ge3A_346 = arith.cmpi sge, %get3A_343, %ge3A_345 : vector<16xi32>
      %lt3A_347 = arith.constant 100 : i32
      %lt3A_348 = vector.broadcast %lt3A_347 : i32 to vector<16xi32>
      %lt3A_349 = arith.cmpi slt, %get3A_343, %lt3A_348 : vector<16xi32>
      %and3A_350 = arith.andi %ge3A_346, %lt3A_349 : vector<16xi1>
      %add3A_351 = arith.constant 368 : i32
      %add3A_352 = vector.broadcast %add3A_351 : i32 to vector<16xi32>
      %add3A_353 = arith.addi %iota3A, %add3A_352 : vector<16xi32>
      tpu.vector_store_idx %arg5[%add3A_353, %get3A_343], %broadcast_in_dim3A_5 masked %and3A_350 : memref<784x100xi32, #tpu.memory_space<vmem>>[vector<16xi32>, vector<16xi32>], vector<16xi32>, vector<16xi1>
      %add3A_354 = arith.constant 384 : i32
      %add3A_355 = arith.addi %mul3A_21, %add3A_354 : i32
      %get3A_356 = arith.index_cast %add3A_355 : i32 to index
      %get3A_357 = tpu.vector_load %arg4[%get3A_356] {strides = array<i32>} : memref<12544xi32, #tpu.memory_space<vmem>>, vector<16xi32>,
      %ge3A_358 = arith.constant 0 : i32
      %ge3A_359 = vector.broadcast %ge3A_358 : i32 to vector<16xi32>
      %ge3A_360 = arith.cmpi sge, %get3A_357, %ge3A_359 : vector<16xi32>
      %lt3A_361 = arith.constant 100 : i32
      %lt3A_362 = vector.broadcast %lt3A_361 : i32 to vector<16xi32>
      %lt3A_363 = arith.cmpi slt, %get3A_357, %lt3A_362 : vector<16xi32>
      %and3A_364 = arith.andi %ge3A_360, %lt3A_363 : vector<16xi1>
      %add3A_365 = arith.constant 384 : i32
      %add3A_366 = vector.broadcast %add3A_365 : i32 to vector<16xi32>
      %add3A_367 = arith.addi %iota3A, %add3A_366 : vector<16xi32>
      tpu.vector_store_idx %arg5[%add3A_367, %get3A_357], %broadcast_in_dim3A_5 masked %and3A_364 : memref<784x100xi32, #tpu.memory_space<vmem>>[vector<16xi32>, vector<16xi32>], vector<16xi32>, vector<16xi1>
      %add3A_368 = arith.constant 400 : i32
      %add3A_369 = arith.addi %mul3A_21, %add3A_368 : i32
      %get3A_370 = arith.index_cast %add3A_369 : i32 to index
      %get3A_371 = tpu.vector_load %arg4[%get3A_370] {strides = array<i32>} : memref<12544xi32, #tpu.memory_space<vmem>>, vector<16xi32>,
      %ge3A_372 = arith.constant 0 : i32
      %ge3A_373 = vector.broadcast %ge3A_372 : i32 to vector<16xi32>
      %ge3A_374 = arith.cmpi sge, %get3A_371, %ge3A_373 : vector<16xi32>
      %lt3A_375 = arith.constant 100 : i32
      %lt3A_376 = vector.broadcast %lt3A_375 : i32 to vector<16xi32>
      %lt3A_377 = arith.cmpi slt, %get3A_371, %lt3A_376 : vector<16xi32>
      %and3A_378 = arith.andi %ge3A_374, %lt3A_377 : vector<16xi1>
      %add3A_379 = arith.constant 400 : i32
      %add3A_380 = vector.broadcast %add3A_379 : i32 to vector<16xi32>
      %add3A_381 = arith.addi %iota3A, %add3A_380 : vector<16xi32>
      tpu.vector_store_idx %arg5[%add3A_381, %get3A_371], %broadcast_in_dim3A_5 masked %and3A_378 : memref<784x100xi32, #tpu.memory_space<vmem>>[vector<16xi32>, vector<16xi32>], vector<16xi32>, vector<16xi1>
      %add3A_382 = arith.constant 416 : i32
      %add3A_383 = arith.addi %mul3A_21, %add3A_382 : i32
      %get3A_384 = arith.index_cast %add3A_383 : i32 to index
      %get3A_385 = tpu.vector_load %arg4[%get3A_384] {strides = array<i32>} : memref<12544xi32, #tpu.memory_space<vmem>>, vector<16xi32>,
      %ge3A_386 = arith.constant 0 : i32
      %ge3A_387 = vector.broadcast %ge3A_386 : i32 to vector<16xi32>
      %ge3A_388 = arith.cmpi sge, %get3A_385, %ge3A_387 : vector<16xi32>
      %lt3A_389 = arith.constant 100 : i32
      %lt3A_390 = vector.broadcast %lt3A_389 : i32 to vector<16xi32>
      %lt3A_391 = arith.cmpi slt, %get3A_385, %lt3A_390 : vector<16xi32>
      %and3A_392 = arith.andi %ge3A_388, %lt3A_391 : vector<16xi1>
      %add3A_393 = arith.constant 416 : i32
      %add3A_394 = vector.broadcast %add3A_393 : i32 to vector<16xi32>
      %add3A_395 = arith.addi %iota3A, %add3A_394 : vector<16xi32>
      tpu.vector_store_idx %arg5[%add3A_395, %get3A_385], %broadcast_in_dim3A_5 masked %and3A_392 : memref<784x100xi32, #tpu.memory_space<vmem>>[vector<16xi32>, vector<16xi32>], vector<16xi32>, vector<16xi1>
      %add3A_396 = arith.constant 432 : i32
      %add3A_397 = arith.addi %mul3A_21, %add3A_396 : i32
      %get3A_398 = arith.index_cast %add3A_397 : i32 to index
      %get3A_399 = tpu.vector_load %arg4[%get3A_398] {strides = array<i32>} : memref<12544xi32, #tpu.memory_space<vmem>>, vector<16xi32>,
      %ge3A_400 = arith.constant 0 : i32
      %ge3A_401 = vector.broadcast %ge3A_400 : i32 to vector<16xi32>
      %ge3A_402 = arith.cmpi sge, %get3A_399, %ge3A_401 : vector<16xi32>
      %lt3A_403 = arith.constant 100 : i32
      %lt3A_404 = vector.broadcast %lt3A_403 : i32 to vector<16xi32>
      %lt3A_405 = arith.cmpi slt, %get3A_399, %lt3A_404 : vector<16xi32>
      %and3A_406 = arith.andi %ge3A_402, %lt3A_405 : vector<16xi1>
      %add3A_407 = arith.constant 432 : i32
      %add3A_408 = vector.broadcast %add3A_407 : i32 to vector<16xi32>
      %add3A_409 = arith.addi %iota3A, %add3A_408 : vector<16xi32>
      tpu.vector_store_idx %arg5[%add3A_409, %get3A_399], %broadcast_in_dim3A_5 masked %and3A_406 : memref<784x100xi32, #tpu.memory_space<vmem>>[vector<16xi32>, vector<16xi32>], vector<16xi32>, vector<16xi1>
      %add3A_410 = arith.constant 448 : i32
      %add3A_411 = arith.addi %mul3A_21, %add3A_410 : i32
      %get3A_412 = arith.index_cast %add3A_411 : i32 to index
      %get3A_413 = tpu.vector_load %arg4[%get3A_412] {strides = array<i32>} : memref<12544xi32, #tpu.memory_space<vmem>>, vector<16xi32>,
      %ge3A_414 = arith.constant 0 : i32
      %ge3A_415 = vector.broadcast %ge3A_414 : i32 to vector<16xi32>
      %ge3A_416 = arith.cmpi sge, %get3A_413, %ge3A_415 : vector<16xi32>
      %lt3A_417 = arith.constant 100 : i32
      %lt3A_418 = vector.broadcast %lt3A_417 : i32 to vector<16xi32>
      %lt3A_419 = arith.cmpi slt, %get3A_413, %lt3A_418 : vector<16xi32>
      %and3A_420 = arith.andi %ge3A_416, %lt3A_419 : vector<16xi1>
      %add3A_421 = arith.constant 448 : i32
      %add3A_422 = vector.broadcast %add3A_421 : i32 to vector<16xi32>
      %add3A_423 = arith.addi %iota3A, %add3A_422 : vector<16xi32>
      tpu.vector_store_idx %arg5[%add3A_423, %get3A_413], %broadcast_in_dim3A_5 masked %and3A_420 : memref<784x100xi32, #tpu.memory_space<vmem>>[vector<16xi32>, vector<16xi32>], vector<16xi32>, vector<16xi1>
      %add3A_424 = arith.constant 464 : i32
      %add3A_425 = arith.addi %mul3A_21, %add3A_424 : i32
      %get3A_426 = arith.index_cast %add3A_425 : i32 to index
      %get3A_427 = tpu.vector_load %arg4[%get3A_426] {strides = array<i32>} : memref<12544xi32, #tpu.memory_space<vmem>>, vector<16xi32>,
      %ge3A_428 = arith.constant 0 : i32
      %ge3A_429 = vector.broadcast %ge3A_428 : i32 to vector<16xi32>
      %ge3A_430 = arith.cmpi sge, %get3A_427, %ge3A_429 : vector<16xi32>
      %lt3A_431 = arith.constant 100 : i32
      %lt3A_432 = vector.broadcast %lt3A_431 : i32 to vector<16xi32>
      %lt3A_433 = arith.cmpi slt, %get3A_427, %lt3A_432 : vector<16xi32>
      %and3A_434 = arith.andi %ge3A_430, %lt3A_433 : vector<16xi1>
      %add3A_435 = arith.constant 464 : i32
      %add3A_436 = vector.broadcast %add3A_435 : i32 to vector<16xi32>
      %add3A_437 = arith.addi %iota3A, %add3A_436 : vector<16xi32>
      tpu.vector_store_idx %arg5[%add3A_437, %get3A_427], %broadcast_in_dim3A_5 masked %and3A_434 : memref<784x100xi32, #tpu.memory_space<vmem>>[vector<16xi32>, vector<16xi32>], vector<16xi32>, vector<16xi1>
      %add3A_438 = arith.constant 480 : i32
      %add3A_439 = arith.addi %mul3A_21, %add3A_438 : i32
      %get3A_440 = arith.index_cast %add3A_439 : i32 to index
      %get3A_441 = tpu.vector_load %arg4[%get3A_440] {strides = array<i32>} : memref<12544xi32, #tpu.memory_space<vmem>>, vector<16xi32>,
      %ge3A_442 = arith.constant 0 : i32
      %ge3A_443 = vector.broadcast %ge3A_442 : i32 to vector<16xi32>
      %ge3A_444 = arith.cmpi sge, %get3A_441, %ge3A_443 : vector<16xi32>
      %lt3A_445 = arith.constant 100 : i32
      %lt3A_446 = vector.broadcast %lt3A_445 : i32 to vector<16xi32>
      %lt3A_447 = arith.cmpi slt, %get3A_441, %lt3A_446 : vector<16xi32>
      %and3A_448 = arith.andi %ge3A_444, %lt3A_447 : vector<16xi1>
      %add3A_449 = arith.constant 480 : i32
      %add3A_450 = vector.broadcast %add3A_449 : i32 to vector<16xi32>
      %add3A_451 = arith.addi %iota3A, %add3A_450 : vector<16xi32>
      tpu.vector_store_idx %arg5[%add3A_451, %get3A_441], %broadcast_in_dim3A_5 masked %and3A_448 : memref<784x100xi32, #tpu.memory_space<vmem>>[vector<16xi32>, vector<16xi32>], vector<16xi32>, vector<16xi1>
      %add3A_452 = arith.constant 496 : i32
      %add3A_453 = arith.addi %mul3A_21, %add3A_452 : i32
      %get3A_454 = arith.index_cast %add3A_453 : i32 to index
      %get3A_455 = tpu.vector_load %arg4[%get3A_454] {strides = array<i32>} : memref<12544xi32, #tpu.memory_space<vmem>>, vector<16xi32>,
      %ge3A_456 = arith.constant 0 : i32
      %ge3A_457 = vector.broadcast %ge3A_456 : i32 to vector<16xi32>
      %ge3A_458 = arith.cmpi sge, %get3A_455, %ge3A_457 : vector<16xi32>
      %lt3A_459 = arith.constant 100 : i32
      %lt3A_460 = vector.broadcast %lt3A_459 : i32 to vector<16xi32>
      %lt3A_461 = arith.cmpi slt, %get3A_455, %lt3A_460 : vector<16xi32>
      %and3A_462 = arith.andi %ge3A_458, %lt3A_461 : vector<16xi1>
      %add3A_463 = arith.constant 496 : i32
      %add3A_464 = vector.broadcast %add3A_463 : i32 to vector<16xi32>
      %add3A_465 = arith.addi %iota3A, %add3A_464 : vector<16xi32>
      tpu.vector_store_idx %arg5[%add3A_465, %get3A_455], %broadcast_in_dim3A_5 masked %and3A_462 : memref<784x100xi32, #tpu.memory_space<vmem>>[vector<16xi32>, vector<16xi32>], vector<16xi32>, vector<16xi1>
      %add3A_466 = arith.constant 512 : i32
      %add3A_467 = arith.addi %mul3A_21, %add3A_466 : i32
      %get3A_468 = arith.index_cast %add3A_467 : i32 to index
      %get3A_469 = tpu.vector_load %arg4[%get3A_468] {strides = array<i32>} : memref<12544xi32, #tpu.memory_space<vmem>>, vector<16xi32>,
      %ge3A_470 = arith.constant 0 : i32
      %ge3A_471 = vector.broadcast %ge3A_470 : i32 to vector<16xi32>
      %ge3A_472 = arith.cmpi sge, %get3A_469, %ge3A_471 : vector<16xi32>
      %lt3A_473 = arith.constant 100 : i32
      %lt3A_474 = vector.broadcast %lt3A_473 : i32 to vector<16xi32>
      %lt3A_475 = arith.cmpi slt, %get3A_469, %lt3A_474 : vector<16xi32>
      %and3A_476 = arith.andi %ge3A_472, %lt3A_475 : vector<16xi1>
      %add3A_477 = arith.constant 512 : i32
      %add3A_478 = vector.broadcast %add3A_477 : i32 to vector<16xi32>
      %add3A_479 = arith.addi %iota3A, %add3A_478 : vector<16xi32>
      tpu.vector_store_idx %arg5[%add3A_479, %get3A_469], %broadcast_in_dim3A_5 masked %and3A_476 : memref<784x100xi32, #tpu.memory_space<vmem>>[vector<16xi32>, vector<16xi32>], vector<16xi32>, vector<16xi1>
      %add3A_480 = arith.constant 528 : i32
      %add3A_481 = arith.addi %mul3A_21, %add3A_480 : i32
      %get3A_482 = arith.index_cast %add3A_481 : i32 to index
      %get3A_483 = tpu.vector_load %arg4[%get3A_482] {strides = array<i32>} : memref<12544xi32, #tpu.memory_space<vmem>>, vector<16xi32>,
      %ge3A_484 = arith.constant 0 : i32
      %ge3A_485 = vector.broadcast %ge3A_484 : i32 to vector<16xi32>
      %ge3A_486 = arith.cmpi sge, %get3A_483, %ge3A_485 : vector<16xi32>
      %lt3A_487 = arith.constant 100 : i32
      %lt3A_488 = vector.broadcast %lt3A_487 : i32 to vector<16xi32>
      %lt3A_489 = arith.cmpi slt, %get3A_483, %lt3A_488 : vector<16xi32>
      %and3A_490 = arith.andi %ge3A_486, %lt3A_489 : vector<16xi1>
      %add3A_491 = arith.constant 528 : i32
      %add3A_492 = vector.broadcast %add3A_491 : i32 to vector<16xi32>
      %add3A_493 = arith.addi %iota3A, %add3A_492 : vector<16xi32>
      tpu.vector_store_idx %arg5[%add3A_493, %get3A_483], %broadcast_in_dim3A_5 masked %and3A_490 : memref<784x100xi32, #tpu.memory_space<vmem>>[vector<16xi32>, vector<16xi32>], vector<16xi32>, vector<16xi1>
      %add3A_494 = arith.constant 544 : i32
      %add3A_495 = arith.addi %mul3A_21, %add3A_494 : i32
      %get3A_496 = arith.index_cast %add3A_495 : i32 to index
      %get3A_497 = tpu.vector_load %arg4[%get3A_496] {strides = array<i32>} : memref<12544xi32, #tpu.memory_space<vmem>>, vector<16xi32>,
      %ge3A_498 = arith.constant 0 : i32
      %ge3A_499 = vector.broadcast %ge3A_498 : i32 to vector<16xi32>
      %ge3A_500 = arith.cmpi sge, %get3A_497, %ge3A_499 : vector<16xi32>
      %lt3A_501 = arith.constant 100 : i32
      %lt3A_502 = vector.broadcast %lt3A_501 : i32 to vector<16xi32>
      %lt3A_503 = arith.cmpi slt, %get3A_497, %lt3A_502 : vector<16xi32>
      %and3A_504 = arith.andi %ge3A_500, %lt3A_503 : vector<16xi1>
      %add3A_505 = arith.constant 544 : i32
      %add3A_506 = vector.broadcast %add3A_505 : i32 to vector<16xi32>
      %add3A_507 = arith.addi %iota3A, %add3A_506 : vector<16xi32>
      tpu.vector_store_idx %arg5[%add3A_507, %get3A_497], %broadcast_in_dim3A_5 masked %and3A_504 : memref<784x100xi32, #tpu.memory_space<vmem>>[vector<16xi32>, vector<16xi32>], vector<16xi32>, vector<16xi1>
      %add3A_508 = arith.constant 560 : i32
      %add3A_509 = arith.addi %mul3A_21, %add3A_508 : i32
      %get3A_510 = arith.index_cast %add3A_509 : i32 to index
      %get3A_511 = tpu.vector_load %arg4[%get3A_510] {strides = array<i32>} : memref<12544xi32, #tpu.memory_space<vmem>>, vector<16xi32>,
      %ge3A_512 = arith.constant 0 : i32
      %ge3A_513 = vector.broadcast %ge3A_512 : i32 to vector<16xi32>
      %ge3A_514 = arith.cmpi sge, %get3A_511, %ge3A_513 : vector<16xi32>
      %lt3A_515 = arith.constant 100 : i32
      %lt3A_516 = vector.broadcast %lt3A_515 : i32 to vector<16xi32>
      %lt3A_517 = arith.cmpi slt, %get3A_511, %lt3A_516 : vector<16xi32>
      %and3A_518 = arith.andi %ge3A_514, %lt3A_517 : vector<16xi1>
      %add3A_519 = arith.constant 560 : i32
      %add3A_520 = vector.broadcast %add3A_519 : i32 to vector<16xi32>
      %add3A_521 = arith.addi %iota3A, %add3A_520 : vector<16xi32>
      tpu.vector_store_idx %arg5[%add3A_521, %get3A_511], %broadcast_in_dim3A_5 masked %and3A_518 : memref<784x100xi32, #tpu.memory_space<vmem>>[vector<16xi32>, vector<16xi32>], vector<16xi32>, vector<16xi1>
      %add3A_522 = arith.constant 576 : i32
      %add3A_523 = arith.addi %mul3A_21, %add3A_522 : i32
      %get3A_524 = arith.index_cast %add3A_523 : i32 to index
      %get3A_525 = tpu.vector_load %arg4[%get3A_524] {strides = array<i32>} : memref<12544xi32, #tpu.memory_space<vmem>>, vector<16xi32>,
      %ge3A_526 = arith.constant 0 : i32
      %ge3A_527 = vector.broadcast %ge3A_526 : i32 to vector<16xi32>
      %ge3A_528 = arith.cmpi sge, %get3A_525, %ge3A_527 : vector<16xi32>
      %lt3A_529 = arith.constant 100 : i32
      %lt3A_530 = vector.broadcast %lt3A_529 : i32 to vector<16xi32>
      %lt3A_531 = arith.cmpi slt, %get3A_525, %lt3A_530 : vector<16xi32>
      %and3A_532 = arith.andi %ge3A_528, %lt3A_531 : vector<16xi1>
      %add3A_533 = arith.constant 576 : i32
      %add3A_534 = vector.broadcast %add3A_533 : i32 to vector<16xi32>
      %add3A_535 = arith.addi %iota3A, %add3A_534 : vector<16xi32>
      tpu.vector_store_idx %arg5[%add3A_535, %get3A_525], %broadcast_in_dim3A_5 masked %and3A_532 : memref<784x100xi32, #tpu.memory_space<vmem>>[vector<16xi32>, vector<16xi32>], vector<16xi32>, vector<16xi1>
      %add3A_536 = arith.constant 592 : i32
      %add3A_537 = arith.addi %mul3A_21, %add3A_536 : i32
      %get3A_538 = arith.index_cast %add3A_537 : i32 to index
      %get3A_539 = tpu.vector_load %arg4[%get3A_538] {strides = array<i32>} : memref<12544xi32, #tpu.memory_space<vmem>>, vector<16xi32>,
      %ge3A_540 = arith.constant 0 : i32
      %ge3A_541 = vector.broadcast %ge3A_540 : i32 to vector<16xi32>
      %ge3A_542 = arith.cmpi sge, %get3A_539, %ge3A_541 : vector<16xi32>
      %lt3A_543 = arith.constant 100 : i32
      %lt3A_544 = vector.broadcast %lt3A_543 : i32 to vector<16xi32>
      %lt3A_545 = arith.cmpi slt, %get3A_539, %lt3A_544 : vector<16xi32>
      %and3A_546 = arith.andi %ge3A_542, %lt3A_545 : vector<16xi1>
      %add3A_547 = arith.constant 592 : i32
      %add3A_548 = vector.broadcast %add3A_547 : i32 to vector<16xi32>
      %add3A_549 = arith.addi %iota3A, %add3A_548 : vector<16xi32>
      tpu.vector_store_idx %arg5[%add3A_549, %get3A_539], %broadcast_in_dim3A_5 masked %and3A_546 : memref<784x100xi32, #tpu.memory_space<vmem>>[vector<16xi32>, vector<16xi32>], vector<16xi32>, vector<16xi1>
      %add3A_550 = arith.constant 608 : i32
      %add3A_551 = arith.addi %mul3A_21, %add3A_550 : i32
      %get3A_552 = arith.index_cast %add3A_551 : i32 to index
      %get3A_553 = tpu.vector_load %arg4[%get3A_552] {strides = array<i32>} : memref<12544xi32, #tpu.memory_space<vmem>>, vector<16xi32>,
      %ge3A_554 = arith.constant 0 : i32
      %ge3A_555 = vector.broadcast %ge3A_554 : i32 to vector<16xi32>
      %ge3A_556 = arith.cmpi sge, %get3A_553, %ge3A_555 : vector<16xi32>
      %lt3A_557 = arith.constant 100 : i32
      %lt3A_558 = vector.broadcast %lt3A_557 : i32 to vector<16xi32>
      %lt3A_559 = arith.cmpi slt, %get3A_553, %lt3A_558 : vector<16xi32>
      %and3A_560 = arith.andi %ge3A_556, %lt3A_559 : vector<16xi1>
      %add3A_561 = arith.constant 608 : i32
      %add3A_562 = vector.broadcast %add3A_561 : i32 to vector<16xi32>
      %add3A_563 = arith.addi %iota3A, %add3A_562 : vector<16xi32>
      tpu.vector_store_idx %arg5[%add3A_563, %get3A_553], %broadcast_in_dim3A_5 masked %and3A_560 : memref<784x100xi32, #tpu.memory_space<vmem>>[vector<16xi32>, vector<16xi32>], vector<16xi32>, vector<16xi1>
      %add3A_564 = arith.constant 624 : i32
      %add3A_565 = arith.addi %mul3A_21, %add3A_564 : i32
      %get3A_566 = arith.index_cast %add3A_565 : i32 to index
      %get3A_567 = tpu.vector_load %arg4[%get3A_566] {strides = array<i32>} : memref<12544xi32, #tpu.memory_space<vmem>>, vector<16xi32>,
      %ge3A_568 = arith.constant 0 : i32
      %ge3A_569 = vector.broadcast %ge3A_568 : i32 to vector<16xi32>
      %ge3A_570 = arith.cmpi sge, %get3A_567, %ge3A_569 : vector<16xi32>
      %lt3A_571 = arith.constant 100 : i32
      %lt3A_572 = vector.broadcast %lt3A_571 : i32 to vector<16xi32>
      %lt3A_573 = arith.cmpi slt, %get3A_567, %lt3A_572 : vector<16xi32>
      %and3A_574 = arith.andi %ge3A_570, %lt3A_573 : vector<16xi1>
      %add3A_575 = arith.constant 624 : i32
      %add3A_576 = vector.broadcast %add3A_575 : i32 to vector<16xi32>
      %add3A_577 = arith.addi %iota3A, %add3A_576 : vector<16xi32>
      tpu.vector_store_idx %arg5[%add3A_577, %get3A_567], %broadcast_in_dim3A_5 masked %and3A_574 : memref<784x100xi32, #tpu.memory_space<vmem>>[vector<16xi32>, vector<16xi32>], vector<16xi32>, vector<16xi1>
      %add3A_578 = arith.constant 640 : i32
      %add3A_579 = arith.addi %mul3A_21, %add3A_578 : i32
      %get3A_580 = arith.index_cast %add3A_579 : i32 to index
      %get3A_581 = tpu.vector_load %arg4[%get3A_580] {strides = array<i32>} : memref<12544xi32, #tpu.memory_space<vmem>>, vector<16xi32>,
      %ge3A_582 = arith.constant 0 : i32
      %ge3A_583 = vector.broadcast %ge3A_582 : i32 to vector<16xi32>
      %ge3A_584 = arith.cmpi sge, %get3A_581, %ge3A_583 : vector<16xi32>
      %lt3A_585 = arith.constant 100 : i32
      %lt3A_586 = vector.broadcast %lt3A_585 : i32 to vector<16xi32>
      %lt3A_587 = arith.cmpi slt, %get3A_581, %lt3A_586 : vector<16xi32>
      %and3A_588 = arith.andi %ge3A_584, %lt3A_587 : vector<16xi1>
      %add3A_589 = arith.constant 640 : i32
      %add3A_590 = vector.broadcast %add3A_589 : i32 to vector<16xi32>
      %add3A_591 = arith.addi %iota3A, %add3A_590 : vector<16xi32>
      tpu.vector_store_idx %arg5[%add3A_591, %get3A_581], %broadcast_in_dim3A_5 masked %and3A_588 : memref<784x100xi32, #tpu.memory_space<vmem>>[vector<16xi32>, vector<16xi32>], vector<16xi32>, vector<16xi1>
      %add3A_592 = arith.constant 656 : i32
      %add3A_593 = arith.addi %mul3A_21, %add3A_592 : i32
      %get3A_594 = arith.index_cast %add3A_593 : i32 to index
      %get3A_595 = tpu.vector_load %arg4[%get3A_594] {strides = array<i32>} : memref<12544xi32, #tpu.memory_space<vmem>>, vector<16xi32>,
      %ge3A_596 = arith.constant 0 : i32
      %ge3A_597 = vector.broadcast %ge3A_596 : i32 to vector<16xi32>
      %ge3A_598 = arith.cmpi sge, %get3A_595, %ge3A_597 : vector<16xi32>
      %lt3A_599 = arith.constant 100 : i32
      %lt3A_600 = vector.broadcast %lt3A_599 : i32 to vector<16xi32>
      %lt3A_601 = arith.cmpi slt, %get3A_595, %lt3A_600 : vector<16xi32>
      %and3A_602 = arith.andi %ge3A_598, %lt3A_601 : vector<16xi1>
      %add3A_603 = arith.constant 656 : i32
      %add3A_604 = vector.broadcast %add3A_603 : i32 to vector<16xi32>
      %add3A_605 = arith.addi %iota3A, %add3A_604 : vector<16xi32>
      tpu.vector_store_idx %arg5[%add3A_605, %get3A_595], %broadcast_in_dim3A_5 masked %and3A_602 : memref<784x100xi32, #tpu.memory_space<vmem>>[vector<16xi32>, vector<16xi32>], vector<16xi32>, vector<16xi1>
      %add3A_606 = arith.constant 672 : i32
      %add3A_607 = arith.addi %mul3A_21, %add3A_606 : i32
      %get3A_608 = arith.index_cast %add3A_607 : i32 to index
      %get3A_609 = tpu.vector_load %arg4[%get3A_608] {strides = array<i32>} : memref<12544xi32, #tpu.memory_space<vmem>>, vector<16xi32>,
      %ge3A_610 = arith.constant 0 : i32
      %ge3A_611 = vector.broadcast %ge3A_610 : i32 to vector<16xi32>
      %ge3A_612 = arith.cmpi sge, %get3A_609, %ge3A_611 : vector<16xi32>
      %lt3A_613 = arith.constant 100 : i32
      %lt3A_614 = vector.broadcast %lt3A_613 : i32 to vector<16xi32>
      %lt3A_615 = arith.cmpi slt, %get3A_609, %lt3A_614 : vector<16xi32>
      %and3A_616 = arith.andi %ge3A_612, %lt3A_615 : vector<16xi1>
      %add3A_617 = arith.constant 672 : i32
      %add3A_618 = vector.broadcast %add3A_617 : i32 to vector<16xi32>
      %add3A_619 = arith.addi %iota3A, %add3A_618 : vector<16xi32>
      tpu.vector_store_idx %arg5[%add3A_619, %get3A_609], %broadcast_in_dim3A_5 masked %and3A_616 : memref<784x100xi32, #tpu.memory_space<vmem>>[vector<16xi32>, vector<16xi32>], vector<16xi32>, vector<16xi1>
      %add3A_620 = arith.constant 688 : i32
      %add3A_621 = arith.addi %mul3A_21, %add3A_620 : i32
      %get3A_622 = arith.index_cast %add3A_621 : i32 to index
      %get3A_623 = tpu.vector_load %arg4[%get3A_622] {strides = array<i32>} : memref<12544xi32, #tpu.memory_space<vmem>>, vector<16xi32>,
      %ge3A_624 = arith.constant 0 : i32
      %ge3A_625 = vector.broadcast %ge3A_624 : i32 to vector<16xi32>
      %ge3A_626 = arith.cmpi sge, %get3A_623, %ge3A_625 : vector<16xi32>
      %lt3A_627 = arith.constant 100 : i32
      %lt3A_628 = vector.broadcast %lt3A_627 : i32 to vector<16xi32>
      %lt3A_629 = arith.cmpi slt, %get3A_623, %lt3A_628 : vector<16xi32>
      %and3A_630 = arith.andi %ge3A_626, %lt3A_629 : vector<16xi1>
      %add3A_631 = arith.constant 688 : i32
      %add3A_632 = vector.broadcast %add3A_631 : i32 to vector<16xi32>
      %add3A_633 = arith.addi %iota3A, %add3A_632 : vector<16xi32>
      tpu.vector_store_idx %arg5[%add3A_633, %get3A_623], %broadcast_in_dim3A_5 masked %and3A_630 : memref<784x100xi32, #tpu.memory_space<vmem>>[vector<16xi32>, vector<16xi32>], vector<16xi32>, vector<16xi1>
      %add3A_634 = arith.constant 704 : i32
      %add3A_635 = arith.addi %mul3A_21, %add3A_634 : i32
      %get3A_636 = arith.index_cast %add3A_635 : i32 to index
      %get3A_637 = tpu.vector_load %arg4[%get3A_636] {strides = array<i32>} : memref<12544xi32, #tpu.memory_space<vmem>>, vector<16xi32>,
      %ge3A_638 = arith.constant 0 : i32
      %ge3A_639 = vector.broadcast %ge3A_638 : i32 to vector<16xi32>
      %ge3A_640 = arith.cmpi sge, %get3A_637, %ge3A_639 : vector<16xi32>
      %lt3A_641 = arith.constant 100 : i32
      %lt3A_642 = vector.broadcast %lt3A_641 : i32 to vector<16xi32>
      %lt3A_643 = arith.cmpi slt, %get3A_637, %lt3A_642 : vector<16xi32>
      %and3A_644 = arith.andi %ge3A_640, %lt3A_643 : vector<16xi1>
      %add3A_645 = arith.constant 704 : i32
      %add3A_646 = vector.broadcast %add3A_645 : i32 to vector<16xi32>
      %add3A_647 = arith.addi %iota3A, %add3A_646 : vector<16xi32>
      tpu.vector_store_idx %arg5[%add3A_647, %get3A_637], %broadcast_in_dim3A_5 masked %and3A_644 : memref<784x100xi32, #tpu.memory_space<vmem>>[vector<16xi32>, vector<16xi32>], vector<16xi32>, vector<16xi1>
      %add3A_648 = arith.constant 720 : i32
      %add3A_649 = arith.addi %mul3A_21, %add3A_648 : i32
      %get3A_650 = arith.index_cast %add3A_649 : i32 to index
      %get3A_651 = tpu.vector_load %arg4[%get3A_650] {strides = array<i32>} : memref<12544xi32, #tpu.memory_space<vmem>>, vector<16xi32>,
      %ge3A_652 = arith.constant 0 : i32
      %ge3A_653 = vector.broadcast %ge3A_652 : i32 to vector<16xi32>
      %ge3A_654 = arith.cmpi sge, %get3A_651, %ge3A_653 : vector<16xi32>
      %lt3A_655 = arith.constant 100 : i32
      %lt3A_656 = vector.broadcast %lt3A_655 : i32 to vector<16xi32>
      %lt3A_657 = arith.cmpi slt, %get3A_651, %lt3A_656 : vector<16xi32>
      %and3A_658 = arith.andi %ge3A_654, %lt3A_657 : vector<16xi1>
      %add3A_659 = arith.constant 720 : i32
      %add3A_660 = vector.broadcast %add3A_659 : i32 to vector<16xi32>
      %add3A_661 = arith.addi %iota3A, %add3A_660 : vector<16xi32>
      tpu.vector_store_idx %arg5[%add3A_661, %get3A_651], %broadcast_in_dim3A_5 masked %and3A_658 : memref<784x100xi32, #tpu.memory_space<vmem>>[vector<16xi32>, vector<16xi32>], vector<16xi32>, vector<16xi1>
      %add3A_662 = arith.constant 736 : i32
      %add3A_663 = arith.addi %mul3A_21, %add3A_662 : i32
      %get3A_664 = arith.index_cast %add3A_663 : i32 to index
      %get3A_665 = tpu.vector_load %arg4[%get3A_664] {strides = array<i32>} : memref<12544xi32, #tpu.memory_space<vmem>>, vector<16xi32>,
      %ge3A_666 = arith.constant 0 : i32
      %ge3A_667 = vector.broadcast %ge3A_666 : i32 to vector<16xi32>
      %ge3A_668 = arith.cmpi sge, %get3A_665, %ge3A_667 : vector<16xi32>
      %lt3A_669 = arith.constant 100 : i32
      %lt3A_670 = vector.broadcast %lt3A_669 : i32 to vector<16xi32>
      %lt3A_671 = arith.cmpi slt, %get3A_665, %lt3A_670 : vector<16xi32>
      %and3A_672 = arith.andi %ge3A_668, %lt3A_671 : vector<16xi1>
      %add3A_673 = arith.constant 736 : i32
      %add3A_674 = vector.broadcast %add3A_673 : i32 to vector<16xi32>
      %add3A_675 = arith.addi %iota3A, %add3A_674 : vector<16xi32>
      tpu.vector_store_idx %arg5[%add3A_675, %get3A_665], %broadcast_in_dim3A_5 masked %and3A_672 : memref<784x100xi32, #tpu.memory_space<vmem>>[vector<16xi32>, vector<16xi32>], vector<16xi32>, vector<16xi1>
      %add3A_676 = arith.constant 752 : i32
      %add3A_677 = arith.addi %mul3A_21, %add3A_676 : i32
      %get3A_678 = arith.index_cast %add3A_677 : i32 to index
      %get3A_679 = tpu.vector_load %arg4[%get3A_678] {strides = array<i32>} : memref<12544xi32, #tpu.memory_space<vmem>>, vector<16xi32>,
      %ge3A_680 = arith.constant 0 : i32
      %ge3A_681 = vector.broadcast %ge3A_680 : i32 to vector<16xi32>
      %ge3A_682 = arith.cmpi sge, %get3A_679, %ge3A_681 : vector<16xi32>
      %lt3A_683 = arith.constant 100 : i32
      %lt3A_684 = vector.broadcast %lt3A_683 : i32 to vector<16xi32>
      %lt3A_685 = arith.cmpi slt, %get3A_679, %lt3A_684 : vector<16xi32>
      %and3A_686 = arith.andi %ge3A_682, %lt3A_685 : vector<16xi1>
      %add3A_687 = arith.constant 752 : i32
      %add3A_688 = vector.broadcast %add3A_687 : i32 to vector<16xi32>
      %add3A_689 = arith.addi %iota3A, %add3A_688 : vector<16xi32>
      tpu.vector_store_idx %arg5[%add3A_689, %get3A_679], %broadcast_in_dim3A_5 masked %and3A_686 : memref<784x100xi32, #tpu.memory_space<vmem>>[vector<16xi32>, vector<16xi32>], vector<16xi32>, vector<16xi1>
      %add3A_690 = arith.constant 768 : i32
      %add3A_691 = arith.addi %mul3A_21, %add3A_690 : i32
      %get3A_692 = arith.index_cast %add3A_691 : i32 to index
      %get3A_693 = tpu.vector_load %arg4[%get3A_692] {strides = array<i32>} : memref<12544xi32, #tpu.memory_space<vmem>>, vector<16xi32>,
      %ge3A_694 = arith.constant 0 : i32
      %ge3A_695 = vector.broadcast %ge3A_694 : i32 to vector<16xi32>
      %ge3A_696 = arith.cmpi sge, %get3A_693, %ge3A_695 : vector<16xi32>
      %lt3A_697 = arith.constant 100 : i32
      %lt3A_698 = vector.broadcast %lt3A_697 : i32 to vector<16xi32>
      %lt3A_699 = arith.cmpi slt, %get3A_693, %lt3A_698 : vector<16xi32>
      %and3A_700 = arith.andi %ge3A_696, %lt3A_699 : vector<16xi1>
      %add3A_701 = arith.constant 768 : i32
      %add3A_702 = vector.broadcast %add3A_701 : i32 to vector<16xi32>
      %add3A_703 = arith.addi %iota3A, %add3A_702 : vector<16xi32>
      tpu.vector_store_idx %arg5[%add3A_703, %get3A_693], %broadcast_in_dim3A_5 masked %and3A_700 : memref<784x100xi32, #tpu.memory_space<vmem>>[vector<16xi32>, vector<16xi32>], vector<16xi32>, vector<16xi1>
      %add3A_704 = arith.addi %mul3A_2, %scan3A_19 : i32
      %dma_start3A = arith.constant 0 : i32
      %dma_start3A_705 = arith.constant 0 : i32
      %dma_start3A_706 = tpu.memref_slice %arg3[%add3A_704, %dma_start3A, %dma_start3A_705] : memref<512x784x100xi32, #tpu.memory_space<hbm>> -> memref<1x784x100xi32, #tpu.memory_space<hbm>>
      %dma_start3A_707 = tpu.memref_squeeze %dma_start3A_706 : memref<1x784x100xi32, #tpu.memory_space<hbm>> -> memref<784x100xi32, #tpu.memory_space<hbm>>
      %dma_start3A_708 = arith.constant 0 : i32
      %dma_start3A_709 = arith.constant 0 : i32
      %dma_start3A_710 = tpu.memref_slice %arg3[%add3A_704, %dma_start3A_708, %dma_start3A_709] : memref<512x784x100xi32, #tpu.memory_space<hbm>> -> memref<1x784x100xi32, #tpu.memory_space<hbm>>
      %dma_start3A_711 = tpu.memref_squeeze %dma_start3A_710 : memref<1x784x100xi32, #tpu.memory_space<hbm>> -> memref<784x100xi32, #tpu.memory_space<hbm>>
      tpu.enqueue_dma source(%arg5 : memref<784x100xi32, #tpu.memory_space<vmem>>) target(%dma_start3A_711 : memref<784x100xi32, #tpu.memory_space<hbm>>) target_semaphore(%arg6 : memref<!tpu.dma_semaphore, #tpu.memory_space<semaphore_mem>>)
      %dma_wait3A = arith.constant 0 : i32
      %dma_wait3A_712 = arith.constant 0 : i32
      %dma_wait3A_713 = tpu.memref_slice %arg3[%add3A_704, %dma_wait3A, %dma_wait3A_712] : memref<512x784x100xi32, #tpu.memory_space<hbm>> -> memref<1x784x100xi32, #tpu.memory_space<hbm>>
      %dma_wait3A_714 = tpu.memref_squeeze %dma_wait3A_713 : memref<1x784x100xi32, #tpu.memory_space<hbm>> -> memref<784x100xi32, #tpu.memory_space<hbm>>
      %dma_wait3A_715 = arith.constant 0 : i32
      %dma_wait3A_716 = arith.constant 0 : i32
      %dma_wait3A_717 = tpu.memref_slice %arg3[%add3A_704, %dma_wait3A_715, %dma_wait3A_716] : memref<512x784x100xi32, #tpu.memory_space<hbm>> -> memref<1x784x100xi32, #tpu.memory_space<hbm>>
      %dma_wait3A_718 = tpu.memref_squeeze %dma_wait3A_717 : memref<1x784x100xi32, #tpu.memory_space<hbm>> -> memref<784x100xi32, #tpu.memory_space<hbm>>
      tpu.wait_dma2 semaphore(%arg6 : memref<!tpu.dma_semaphore, #tpu.memory_space<semaphore_mem>>) src(%arg5 : memref<784x100xi32, #tpu.memory_space<vmem>>) dst(%dma_wait3A_718 : memref<784x100xi32, #tpu.memory_space<hbm>>)
      %add3A_719 = arith.constant 0 : i32
      %add3A_720 = arith.addi %mul3A_21, %add3A_719 : i32
      %get3A_721 = arith.index_cast %add3A_720 : i32 to index
      %get3A_722 = tpu.vector_load %arg4[%get3A_721] {strides = array<i32>} : memref<12544xi32, #tpu.memory_space<vmem>>, vector<16xi32>,
      %ge3A_723 = arith.constant 0 : i32
      %ge3A_724 = vector.broadcast %ge3A_723 : i32 to vector<16xi32>
      %ge3A_725 = arith.cmpi sge, %get3A_722, %ge3A_724 : vector<16xi32>
      %lt3A_726 = arith.constant 100 : i32
      %lt3A_727 = vector.broadcast %lt3A_726 : i32 to vector<16xi32>
      %lt3A_728 = arith.cmpi slt, %get3A_722, %lt3A_727 : vector<16xi32>
      %and3A_729 = arith.andi %ge3A_725, %lt3A_728 : vector<16xi1>
      %add3A_730 = arith.constant 0 : i32
      %add3A_731 = vector.broadcast %add3A_730 : i32 to vector<16xi32>
      %add3A_732 = arith.addi %iota3A, %add3A_731 : vector<16xi32>
      tpu.vector_store_idx %arg5[%add3A_732, %get3A_722], %broadcast_in_dim3A_7 masked %and3A_729 : memref<784x100xi32, #tpu.memory_space<vmem>>[vector<16xi32>, vector<16xi32>], vector<16xi32>, vector<16xi1>
      %add3A_733 = arith.constant 16 : i32
      %add3A_734 = arith.addi %mul3A_21, %add3A_733 : i32
      %get3A_735 = arith.index_cast %add3A_734 : i32 to index
      %get3A_736 = tpu.vector_load %arg4[%get3A_735] {strides = array<i32>} : memref<12544xi32, #tpu.memory_space<vmem>>, vector<16xi32>,
      %ge3A_737 = arith.constant 0 : i32
      %ge3A_738 = vector.broadcast %ge3A_737 : i32 to vector<16xi32>
      %ge3A_739 = arith.cmpi sge, %get3A_736, %ge3A_738 : vector<16xi32>
      %lt3A_740 = arith.constant 100 : i32
      %lt3A_741 = vector.broadcast %lt3A_740 : i32 to vector<16xi32>
      %lt3A_742 = arith.cmpi slt, %get3A_736, %lt3A_741 : vector<16xi32>
      %and3A_743 = arith.andi %ge3A_739, %lt3A_742 : vector<16xi1>
      %add3A_744 = arith.constant 16 : i32
      %add3A_745 = vector.broadcast %add3A_744 : i32 to vector<16xi32>
      %add3A_746 = arith.addi %iota3A, %add3A_745 : vector<16xi32>
      tpu.vector_store_idx %arg5[%add3A_746, %get3A_736], %broadcast_in_dim3A_7 masked %and3A_743 : memref<784x100xi32, #tpu.memory_space<vmem>>[vector<16xi32>, vector<16xi32>], vector<16xi32>, vector<16xi1>
      %add3A_747 = arith.constant 32 : i32
      %add3A_748 = arith.addi %mul3A_21, %add3A_747 : i32
      %get3A_749 = arith.index_cast %add3A_748 : i32 to index
      %get3A_750 = tpu.vector_load %arg4[%get3A_749] {strides = array<i32>} : memref<12544xi32, #tpu.memory_space<vmem>>, vector<16xi32>,
      %ge3A_751 = arith.constant 0 : i32
      %ge3A_752 = vector.broadcast %ge3A_751 : i32 to vector<16xi32>
      %ge3A_753 = arith.cmpi sge, %get3A_750, %ge3A_752 : vector<16xi32>
      %lt3A_754 = arith.constant 100 : i32
      %lt3A_755 = vector.broadcast %lt3A_754 : i32 to vector<16xi32>
      %lt3A_756 = arith.cmpi slt, %get3A_750, %lt3A_755 : vector<16xi32>
      %and3A_757 = arith.andi %ge3A_753, %lt3A_756 : vector<16xi1>
      %add3A_758 = arith.constant 32 : i32
      %add3A_759 = vector.broadcast %add3A_758 : i32 to vector<16xi32>
      %add3A_760 = arith.addi %iota3A, %add3A_759 : vector<16xi32>
      tpu.vector_store_idx %arg5[%add3A_760, %get3A_750], %broadcast_in_dim3A_7 masked %and3A_757 : memref<784x100xi32, #tpu.memory_space<vmem>>[vector<16xi32>, vector<16xi32>], vector<16xi32>, vector<16xi1>
      %add3A_761 = arith.constant 48 : i32
      %add3A_762 = arith.addi %mul3A_21, %add3A_761 : i32
      %get3A_763 = arith.index_cast %add3A_762 : i32 to index
      %get3A_764 = tpu.vector_load %arg4[%get3A_763] {strides = array<i32>} : memref<12544xi32, #tpu.memory_space<vmem>>, vector<16xi32>,
      %ge3A_765 = arith.constant 0 : i32
      %ge3A_766 = vector.broadcast %ge3A_765 : i32 to vector<16xi32>
      %ge3A_767 = arith.cmpi sge, %get3A_764, %ge3A_766 : vector<16xi32>
      %lt3A_768 = arith.constant 100 : i32
      %lt3A_769 = vector.broadcast %lt3A_768 : i32 to vector<16xi32>
      %lt3A_770 = arith.cmpi slt, %get3A_764, %lt3A_769 : vector<16xi32>
      %and3A_771 = arith.andi %ge3A_767, %lt3A_770 : vector<16xi1>
      %add3A_772 = arith.constant 48 : i32
      %add3A_773 = vector.broadcast %add3A_772 : i32 to vector<16xi32>
      %add3A_774 = arith.addi %iota3A, %add3A_773 : vector<16xi32>
      tpu.vector_store_idx %arg5[%add3A_774, %get3A_764], %broadcast_in_dim3A_7 masked %and3A_771 : memref<784x100xi32, #tpu.memory_space<vmem>>[vector<16xi32>, vector<16xi32>], vector<16xi32>, vector<16xi1>
      %add3A_775 = arith.constant 64 : i32
      %add3A_776 = arith.addi %mul3A_21, %add3A_775 : i32
      %get3A_777 = arith.index_cast %add3A_776 : i32 to index
      %get3A_778 = tpu.vector_load %arg4[%get3A_777] {strides = array<i32>} : memref<12544xi32, #tpu.memory_space<vmem>>, vector<16xi32>,
      %ge3A_779 = arith.constant 0 : i32
      %ge3A_780 = vector.broadcast %ge3A_779 : i32 to vector<16xi32>
      %ge3A_781 = arith.cmpi sge, %get3A_778, %ge3A_780 : vector<16xi32>
      %lt3A_782 = arith.constant 100 : i32
      %lt3A_783 = vector.broadcast %lt3A_782 : i32 to vector<16xi32>
      %lt3A_784 = arith.cmpi slt, %get3A_778, %lt3A_783 : vector<16xi32>
      %and3A_785 = arith.andi %ge3A_781, %lt3A_784 : vector<16xi1>
      %add3A_786 = arith.constant 64 : i32
      %add3A_787 = vector.broadcast %add3A_786 : i32 to vector<16xi32>
      %add3A_788 = arith.addi %iota3A, %add3A_787 : vector<16xi32>
      tpu.vector_store_idx %arg5[%add3A_788, %get3A_778], %broadcast_in_dim3A_7 masked %and3A_785 : memref<784x100xi32, #tpu.memory_space<vmem>>[vector<16xi32>, vector<16xi32>], vector<16xi32>, vector<16xi1>
      %add3A_789 = arith.constant 80 : i32
      %add3A_790 = arith.addi %mul3A_21, %add3A_789 : i32
      %get3A_791 = arith.index_cast %add3A_790 : i32 to index
      %get3A_792 = tpu.vector_load %arg4[%get3A_791] {strides = array<i32>} : memref<12544xi32, #tpu.memory_space<vmem>>, vector<16xi32>,
      %ge3A_793 = arith.constant 0 : i32
      %ge3A_794 = vector.broadcast %ge3A_793 : i32 to vector<16xi32>
      %ge3A_795 = arith.cmpi sge, %get3A_792, %ge3A_794 : vector<16xi32>
      %lt3A_796 = arith.constant 100 : i32
      %lt3A_797 = vector.broadcast %lt3A_796 : i32 to vector<16xi32>
      %lt3A_798 = arith.cmpi slt, %get3A_792, %lt3A_797 : vector<16xi32>
      %and3A_799 = arith.andi %ge3A_795, %lt3A_798 : vector<16xi1>
      %add3A_800 = arith.constant 80 : i32
      %add3A_801 = vector.broadcast %add3A_800 : i32 to vector<16xi32>
      %add3A_802 = arith.addi %iota3A, %add3A_801 : vector<16xi32>
      tpu.vector_store_idx %arg5[%add3A_802, %get3A_792], %broadcast_in_dim3A_7 masked %and3A_799 : memref<784x100xi32, #tpu.memory_space<vmem>>[vector<16xi32>, vector<16xi32>], vector<16xi32>, vector<16xi1>
      %add3A_803 = arith.constant 96 : i32
      %add3A_804 = arith.addi %mul3A_21, %add3A_803 : i32
      %get3A_805 = arith.index_cast %add3A_804 : i32 to index
      %get3A_806 = tpu.vector_load %arg4[%get3A_805] {strides = array<i32>} : memref<12544xi32, #tpu.memory_space<vmem>>, vector<16xi32>,
      %ge3A_807 = arith.constant 0 : i32
      %ge3A_808 = vector.broadcast %ge3A_807 : i32 to vector<16xi32>
      %ge3A_809 = arith.cmpi sge, %get3A_806, %ge3A_808 : vector<16xi32>
      %lt3A_810 = arith.constant 100 : i32
      %lt3A_811 = vector.broadcast %lt3A_810 : i32 to vector<16xi32>
      %lt3A_812 = arith.cmpi slt, %get3A_806, %lt3A_811 : vector<16xi32>
      %and3A_813 = arith.andi %ge3A_809, %lt3A_812 : vector<16xi1>
      %add3A_814 = arith.constant 96 : i32
      %add3A_815 = vector.broadcast %add3A_814 : i32 to vector<16xi32>
      %add3A_816 = arith.addi %iota3A, %add3A_815 : vector<16xi32>
      tpu.vector_store_idx %arg5[%add3A_816, %get3A_806], %broadcast_in_dim3A_7 masked %and3A_813 : memref<784x100xi32, #tpu.memory_space<vmem>>[vector<16xi32>, vector<16xi32>], vector<16xi32>, vector<16xi1>
      %add3A_817 = arith.constant 112 : i32
      %add3A_818 = arith.addi %mul3A_21, %add3A_817 : i32
      %get3A_819 = arith.index_cast %add3A_818 : i32 to index
      %get3A_820 = tpu.vector_load %arg4[%get3A_819] {strides = array<i32>} : memref<12544xi32, #tpu.memory_space<vmem>>, vector<16xi32>,
      %ge3A_821 = arith.constant 0 : i32
      %ge3A_822 = vector.broadcast %ge3A_821 : i32 to vector<16xi32>
      %ge3A_823 = arith.cmpi sge, %get3A_820, %ge3A_822 : vector<16xi32>
      %lt3A_824 = arith.constant 100 : i32
      %lt3A_825 = vector.broadcast %lt3A_824 : i32 to vector<16xi32>
      %lt3A_826 = arith.cmpi slt, %get3A_820, %lt3A_825 : vector<16xi32>
      %and3A_827 = arith.andi %ge3A_823, %lt3A_826 : vector<16xi1>
      %add3A_828 = arith.constant 112 : i32
      %add3A_829 = vector.broadcast %add3A_828 : i32 to vector<16xi32>
      %add3A_830 = arith.addi %iota3A, %add3A_829 : vector<16xi32>
      tpu.vector_store_idx %arg5[%add3A_830, %get3A_820], %broadcast_in_dim3A_7 masked %and3A_827 : memref<784x100xi32, #tpu.memory_space<vmem>>[vector<16xi32>, vector<16xi32>], vector<16xi32>, vector<16xi1>
      %add3A_831 = arith.constant 128 : i32
      %add3A_832 = arith.addi %mul3A_21, %add3A_831 : i32
      %get3A_833 = arith.index_cast %add3A_832 : i32 to index
      %get3A_834 = tpu.vector_load %arg4[%get3A_833] {strides = array<i32>} : memref<12544xi32, #tpu.memory_space<vmem>>, vector<16xi32>,
      %ge3A_835 = arith.constant 0 : i32
      %ge3A_836 = vector.broadcast %ge3A_835 : i32 to vector<16xi32>
      %ge3A_837 = arith.cmpi sge, %get3A_834, %ge3A_836 : vector<16xi32>
      %lt3A_838 = arith.constant 100 : i32
      %lt3A_839 = vector.broadcast %lt3A_838 : i32 to vector<16xi32>
      %lt3A_840 = arith.cmpi slt, %get3A_834, %lt3A_839 : vector<16xi32>
      %and3A_841 = arith.andi %ge3A_837, %lt3A_840 : vector<16xi1>
      %add3A_842 = arith.constant 128 : i32
      %add3A_843 = vector.broadcast %add3A_842 : i32 to vector<16xi32>
      %add3A_844 = arith.addi %iota3A, %add3A_843 : vector<16xi32>
      tpu.vector_store_idx %arg5[%add3A_844, %get3A_834], %broadcast_in_dim3A_7 masked %and3A_841 : memref<784x100xi32, #tpu.memory_space<vmem>>[vector<16xi32>, vector<16xi32>], vector<16xi32>, vector<16xi1>
      %add3A_845 = arith.constant 144 : i32
      %add3A_846 = arith.addi %mul3A_21, %add3A_845 : i32
      %get3A_847 = arith.index_cast %add3A_846 : i32 to index
      %get3A_848 = tpu.vector_load %arg4[%get3A_847] {strides = array<i32>} : memref<12544xi32, #tpu.memory_space<vmem>>, vector<16xi32>,
      %ge3A_849 = arith.constant 0 : i32
      %ge3A_850 = vector.broadcast %ge3A_849 : i32 to vector<16xi32>
      %ge3A_851 = arith.cmpi sge, %get3A_848, %ge3A_850 : vector<16xi32>
      %lt3A_852 = arith.constant 100 : i32
      %lt3A_853 = vector.broadcast %lt3A_852 : i32 to vector<16xi32>
      %lt3A_854 = arith.cmpi slt, %get3A_848, %lt3A_853 : vector<16xi32>
      %and3A_855 = arith.andi %ge3A_851, %lt3A_854 : vector<16xi1>
      %add3A_856 = arith.constant 144 : i32
      %add3A_857 = vector.broadcast %add3A_856 : i32 to vector<16xi32>
      %add3A_858 = arith.addi %iota3A, %add3A_857 : vector<16xi32>
      tpu.vector_store_idx %arg5[%add3A_858, %get3A_848], %broadcast_in_dim3A_7 masked %and3A_855 : memref<784x100xi32, #tpu.memory_space<vmem>>[vector<16xi32>, vector<16xi32>], vector<16xi32>, vector<16xi1>
      %add3A_859 = arith.constant 160 : i32
      %add3A_860 = arith.addi %mul3A_21, %add3A_859 : i32
      %get3A_861 = arith.index_cast %add3A_860 : i32 to index
      %get3A_862 = tpu.vector_load %arg4[%get3A_861] {strides = array<i32>} : memref<12544xi32, #tpu.memory_space<vmem>>, vector<16xi32>,
      %ge3A_863 = arith.constant 0 : i32
      %ge3A_864 = vector.broadcast %ge3A_863 : i32 to vector<16xi32>
      %ge3A_865 = arith.cmpi sge, %get3A_862, %ge3A_864 : vector<16xi32>
      %lt3A_866 = arith.constant 100 : i32
      %lt3A_867 = vector.broadcast %lt3A_866 : i32 to vector<16xi32>
      %lt3A_868 = arith.cmpi slt, %get3A_862, %lt3A_867 : vector<16xi32>
      %and3A_869 = arith.andi %ge3A_865, %lt3A_868 : vector<16xi1>
      %add3A_870 = arith.constant 160 : i32
      %add3A_871 = vector.broadcast %add3A_870 : i32 to vector<16xi32>
      %add3A_872 = arith.addi %iota3A, %add3A_871 : vector<16xi32>
      tpu.vector_store_idx %arg5[%add3A_872, %get3A_862], %broadcast_in_dim3A_7 masked %and3A_869 : memref<784x100xi32, #tpu.memory_space<vmem>>[vector<16xi32>, vector<16xi32>], vector<16xi32>, vector<16xi1>
      %add3A_873 = arith.constant 176 : i32
      %add3A_874 = arith.addi %mul3A_21, %add3A_873 : i32
      %get3A_875 = arith.index_cast %add3A_874 : i32 to index
      %get3A_876 = tpu.vector_load %arg4[%get3A_875] {strides = array<i32>} : memref<12544xi32, #tpu.memory_space<vmem>>, vector<16xi32>,
      %ge3A_877 = arith.constant 0 : i32
      %ge3A_878 = vector.broadcast %ge3A_877 : i32 to vector<16xi32>
      %ge3A_879 = arith.cmpi sge, %get3A_876, %ge3A_878 : vector<16xi32>
      %lt3A_880 = arith.constant 100 : i32
      %lt3A_881 = vector.broadcast %lt3A_880 : i32 to vector<16xi32>
      %lt3A_882 = arith.cmpi slt, %get3A_876, %lt3A_881 : vector<16xi32>
      %and3A_883 = arith.andi %ge3A_879, %lt3A_882 : vector<16xi1>
      %add3A_884 = arith.constant 176 : i32
      %add3A_885 = vector.broadcast %add3A_884 : i32 to vector<16xi32>
      %add3A_886 = arith.addi %iota3A, %add3A_885 : vector<16xi32>
      tpu.vector_store_idx %arg5[%add3A_886, %get3A_876], %broadcast_in_dim3A_7 masked %and3A_883 : memref<784x100xi32, #tpu.memory_space<vmem>>[vector<16xi32>, vector<16xi32>], vector<16xi32>, vector<16xi1>
      %add3A_887 = arith.constant 192 : i32
      %add3A_888 = arith.addi %mul3A_21, %add3A_887 : i32
      %get3A_889 = arith.index_cast %add3A_888 : i32 to index
      %get3A_890 = tpu.vector_load %arg4[%get3A_889] {strides = array<i32>} : memref<12544xi32, #tpu.memory_space<vmem>>, vector<16xi32>,
      %ge3A_891 = arith.constant 0 : i32
      %ge3A_892 = vector.broadcast %ge3A_891 : i32 to vector<16xi32>
      %ge3A_893 = arith.cmpi sge, %get3A_890, %ge3A_892 : vector<16xi32>
      %lt3A_894 = arith.constant 100 : i32
      %lt3A_895 = vector.broadcast %lt3A_894 : i32 to vector<16xi32>
      %lt3A_896 = arith.cmpi slt, %get3A_890, %lt3A_895 : vector<16xi32>
      %and3A_897 = arith.andi %ge3A_893, %lt3A_896 : vector<16xi1>
      %add3A_898 = arith.constant 192 : i32
      %add3A_899 = vector.broadcast %add3A_898 : i32 to vector<16xi32>
      %add3A_900 = arith.addi %iota3A, %add3A_899 : vector<16xi32>
      tpu.vector_store_idx %arg5[%add3A_900, %get3A_890], %broadcast_in_dim3A_7 masked %and3A_897 : memref<784x100xi32, #tpu.memory_space<vmem>>[vector<16xi32>, vector<16xi32>], vector<16xi32>, vector<16xi1>
      %add3A_901 = arith.constant 208 : i32
      %add3A_902 = arith.addi %mul3A_21, %add3A_901 : i32
      %get3A_903 = arith.index_cast %add3A_902 : i32 to index
      %get3A_904 = tpu.vector_load %arg4[%get3A_903] {strides = array<i32>} : memref<12544xi32, #tpu.memory_space<vmem>>, vector<16xi32>,
      %ge3A_905 = arith.constant 0 : i32
      %ge3A_906 = vector.broadcast %ge3A_905 : i32 to vector<16xi32>
      %ge3A_907 = arith.cmpi sge, %get3A_904, %ge3A_906 : vector<16xi32>
      %lt3A_908 = arith.constant 100 : i32
      %lt3A_909 = vector.broadcast %lt3A_908 : i32 to vector<16xi32>
      %lt3A_910 = arith.cmpi slt, %get3A_904, %lt3A_909 : vector<16xi32>
      %and3A_911 = arith.andi %ge3A_907, %lt3A_910 : vector<16xi1>
      %add3A_912 = arith.constant 208 : i32
      %add3A_913 = vector.broadcast %add3A_912 : i32 to vector<16xi32>
      %add3A_914 = arith.addi %iota3A, %add3A_913 : vector<16xi32>
      tpu.vector_store_idx %arg5[%add3A_914, %get3A_904], %broadcast_in_dim3A_7 masked %and3A_911 : memref<784x100xi32, #tpu.memory_space<vmem>>[vector<16xi32>, vector<16xi32>], vector<16xi32>, vector<16xi1>
      %add3A_915 = arith.constant 224 : i32
      %add3A_916 = arith.addi %mul3A_21, %add3A_915 : i32
      %get3A_917 = arith.index_cast %add3A_916 : i32 to index
      %get3A_918 = tpu.vector_load %arg4[%get3A_917] {strides = array<i32>} : memref<12544xi32, #tpu.memory_space<vmem>>, vector<16xi32>,
      %ge3A_919 = arith.constant 0 : i32
      %ge3A_920 = vector.broadcast %ge3A_919 : i32 to vector<16xi32>
      %ge3A_921 = arith.cmpi sge, %get3A_918, %ge3A_920 : vector<16xi32>
      %lt3A_922 = arith.constant 100 : i32
      %lt3A_923 = vector.broadcast %lt3A_922 : i32 to vector<16xi32>
      %lt3A_924 = arith.cmpi slt, %get3A_918, %lt3A_923 : vector<16xi32>
      %and3A_925 = arith.andi %ge3A_921, %lt3A_924 : vector<16xi1>
      %add3A_926 = arith.constant 224 : i32
      %add3A_927 = vector.broadcast %add3A_926 : i32 to vector<16xi32>
      %add3A_928 = arith.addi %iota3A, %add3A_927 : vector<16xi32>
      tpu.vector_store_idx %arg5[%add3A_928, %get3A_918], %broadcast_in_dim3A_7 masked %and3A_925 : memref<784x100xi32, #tpu.memory_space<vmem>>[vector<16xi32>, vector<16xi32>], vector<16xi32>, vector<16xi1>
      %add3A_929 = arith.constant 240 : i32
      %add3A_930 = arith.addi %mul3A_21, %add3A_929 : i32
      %get3A_931 = arith.index_cast %add3A_930 : i32 to index
      %get3A_932 = tpu.vector_load %arg4[%get3A_931] {strides = array<i32>} : memref<12544xi32, #tpu.memory_space<vmem>>, vector<16xi32>,
      %ge3A_933 = arith.constant 0 : i32
      %ge3A_934 = vector.broadcast %ge3A_933 : i32 to vector<16xi32>
      %ge3A_935 = arith.cmpi sge, %get3A_932, %ge3A_934 : vector<16xi32>
      %lt3A_936 = arith.constant 100 : i32
      %lt3A_937 = vector.broadcast %lt3A_936 : i32 to vector<16xi32>
      %lt3A_938 = arith.cmpi slt, %get3A_932, %lt3A_937 : vector<16xi32>
      %and3A_939 = arith.andi %ge3A_935, %lt3A_938 : vector<16xi1>
      %add3A_940 = arith.constant 240 : i32
      %add3A_941 = vector.broadcast %add3A_940 : i32 to vector<16xi32>
      %add3A_942 = arith.addi %iota3A, %add3A_941 : vector<16xi32>
      tpu.vector_store_idx %arg5[%add3A_942, %get3A_932], %broadcast_in_dim3A_7 masked %and3A_939 : memref<784x100xi32, #tpu.memory_space<vmem>>[vector<16xi32>, vector<16xi32>], vector<16xi32>, vector<16xi1>
      %add3A_943 = arith.constant 256 : i32
      %add3A_944 = arith.addi %mul3A_21, %add3A_943 : i32
      %get3A_945 = arith.index_cast %add3A_944 : i32 to index
      %get3A_946 = tpu.vector_load %arg4[%get3A_945] {strides = array<i32>} : memref<12544xi32, #tpu.memory_space<vmem>>, vector<16xi32>,
      %ge3A_947 = arith.constant 0 : i32
      %ge3A_948 = vector.broadcast %ge3A_947 : i32 to vector<16xi32>
      %ge3A_949 = arith.cmpi sge, %get3A_946, %ge3A_948 : vector<16xi32>
      %lt3A_950 = arith.constant 100 : i32
      %lt3A_951 = vector.broadcast %lt3A_950 : i32 to vector<16xi32>
      %lt3A_952 = arith.cmpi slt, %get3A_946, %lt3A_951 : vector<16xi32>
      %and3A_953 = arith.andi %ge3A_949, %lt3A_952 : vector<16xi1>
      %add3A_954 = arith.constant 256 : i32
      %add3A_955 = vector.broadcast %add3A_954 : i32 to vector<16xi32>
      %add3A_956 = arith.addi %iota3A, %add3A_955 : vector<16xi32>
      tpu.vector_store_idx %arg5[%add3A_956, %get3A_946], %broadcast_in_dim3A_7 masked %and3A_953 : memref<784x100xi32, #tpu.memory_space<vmem>>[vector<16xi32>, vector<16xi32>], vector<16xi32>, vector<16xi1>
      %add3A_957 = arith.constant 272 : i32
      %add3A_958 = arith.addi %mul3A_21, %add3A_957 : i32
      %get3A_959 = arith.index_cast %add3A_958 : i32 to index
      %get3A_960 = tpu.vector_load %arg4[%get3A_959] {strides = array<i32>} : memref<12544xi32, #tpu.memory_space<vmem>>, vector<16xi32>,
      %ge3A_961 = arith.constant 0 : i32
      %ge3A_962 = vector.broadcast %ge3A_961 : i32 to vector<16xi32>
      %ge3A_963 = arith.cmpi sge, %get3A_960, %ge3A_962 : vector<16xi32>
      %lt3A_964 = arith.constant 100 : i32
      %lt3A_965 = vector.broadcast %lt3A_964 : i32 to vector<16xi32>
      %lt3A_966 = arith.cmpi slt, %get3A_960, %lt3A_965 : vector<16xi32>
      %and3A_967 = arith.andi %ge3A_963, %lt3A_966 : vector<16xi1>
      %add3A_968 = arith.constant 272 : i32
      %add3A_969 = vector.broadcast %add3A_968 : i32 to vector<16xi32>
      %add3A_970 = arith.addi %iota3A, %add3A_969 : vector<16xi32>
      tpu.vector_store_idx %arg5[%add3A_970, %get3A_960], %broadcast_in_dim3A_7 masked %and3A_967 : memref<784x100xi32, #tpu.memory_space<vmem>>[vector<16xi32>, vector<16xi32>], vector<16xi32>, vector<16xi1>
      %add3A_971 = arith.constant 288 : i32
      %add3A_972 = arith.addi %mul3A_21, %add3A_971 : i32
      %get3A_973 = arith.index_cast %add3A_972 : i32 to index
      %get3A_974 = tpu.vector_load %arg4[%get3A_973] {strides = array<i32>} : memref<12544xi32, #tpu.memory_space<vmem>>, vector<16xi32>,
      %ge3A_975 = arith.constant 0 : i32
      %ge3A_976 = vector.broadcast %ge3A_975 : i32 to vector<16xi32>
      %ge3A_977 = arith.cmpi sge, %get3A_974, %ge3A_976 : vector<16xi32>
      %lt3A_978 = arith.constant 100 : i32
      %lt3A_979 = vector.broadcast %lt3A_978 : i32 to vector<16xi32>
      %lt3A_980 = arith.cmpi slt, %get3A_974, %lt3A_979 : vector<16xi32>
      %and3A_981 = arith.andi %ge3A_977, %lt3A_980 : vector<16xi1>
      %add3A_982 = arith.constant 288 : i32
      %add3A_983 = vector.broadcast %add3A_982 : i32 to vector<16xi32>
      %add3A_984 = arith.addi %iota3A, %add3A_983 : vector<16xi32>
      tpu.vector_store_idx %arg5[%add3A_984, %get3A_974], %broadcast_in_dim3A_7 masked %and3A_981 : memref<784x100xi32, #tpu.memory_space<vmem>>[vector<16xi32>, vector<16xi32>], vector<16xi32>, vector<16xi1>
      %add3A_985 = arith.constant 304 : i32
      %add3A_986 = arith.addi %mul3A_21, %add3A_985 : i32
      %get3A_987 = arith.index_cast %add3A_986 : i32 to index
      %get3A_988 = tpu.vector_load %arg4[%get3A_987] {strides = array<i32>} : memref<12544xi32, #tpu.memory_space<vmem>>, vector<16xi32>,
      %ge3A_989 = arith.constant 0 : i32
      %ge3A_990 = vector.broadcast %ge3A_989 : i32 to vector<16xi32>
      %ge3A_991 = arith.cmpi sge, %get3A_988, %ge3A_990 : vector<16xi32>
      %lt3A_992 = arith.constant 100 : i32
      %lt3A_993 = vector.broadcast %lt3A_992 : i32 to vector<16xi32>
      %lt3A_994 = arith.cmpi slt, %get3A_988, %lt3A_993 : vector<16xi32>
      %and3A_995 = arith.andi %ge3A_991, %lt3A_994 : vector<16xi1>
      %add3A_996 = arith.constant 304 : i32
      %add3A_997 = vector.broadcast %add3A_996 : i32 to vector<16xi32>
      %add3A_998 = arith.addi %iota3A, %add3A_997 : vector<16xi32>
      tpu.vector_store_idx %arg5[%add3A_998, %get3A_988], %broadcast_in_dim3A_7 masked %and3A_995 : memref<784x100xi32, #tpu.memory_space<vmem>>[vector<16xi32>, vector<16xi32>], vector<16xi32>, vector<16xi1>
      %add3A_999 = arith.constant 320 : i32
      %add3A_1000 = arith.addi %mul3A_21, %add3A_999 : i32
      %get3A_1001 = arith.index_cast %add3A_1000 : i32 to index
      %get3A_1002 = tpu.vector_load %arg4[%get3A_1001] {strides = array<i32>} : memref<12544xi32, #tpu.memory_space<vmem>>, vector<16xi32>,
      %ge3A_1003 = arith.constant 0 : i32
      %ge3A_1004 = vector.broadcast %ge3A_1003 : i32 to vector<16xi32>
      %ge3A_1005 = arith.cmpi sge, %get3A_1002, %ge3A_1004 : vector<16xi32>
      %lt3A_1006 = arith.constant 100 : i32
      %lt3A_1007 = vector.broadcast %lt3A_1006 : i32 to vector<16xi32>
      %lt3A_1008 = arith.cmpi slt, %get3A_1002, %lt3A_1007 : vector<16xi32>
      %and3A_1009 = arith.andi %ge3A_1005, %lt3A_1008 : vector<16xi1>
      %add3A_1010 = arith.constant 320 : i32
      %add3A_1011 = vector.broadcast %add3A_1010 : i32 to vector<16xi32>
      %add3A_1012 = arith.addi %iota3A, %add3A_1011 : vector<16xi32>
      tpu.vector_store_idx %arg5[%add3A_1012, %get3A_1002], %broadcast_in_dim3A_7 masked %and3A_1009 : memref<784x100xi32, #tpu.memory_space<vmem>>[vector<16xi32>, vector<16xi32>], vector<16xi32>, vector<16xi1>
      %add3A_1013 = arith.constant 336 : i32
      %add3A_1014 = arith.addi %mul3A_21, %add3A_1013 : i32
      %get3A_1015 = arith.index_cast %add3A_1014 : i32 to index
      %get3A_1016 = tpu.vector_load %arg4[%get3A_1015] {strides = array<i32>} : memref<12544xi32, #tpu.memory_space<vmem>>, vector<16xi32>,
      %ge3A_1017 = arith.constant 0 : i32
      %ge3A_1018 = vector.broadcast %ge3A_1017 : i32 to vector<16xi32>
      %ge3A_1019 = arith.cmpi sge, %get3A_1016, %ge3A_1018 : vector<16xi32>
      %lt3A_1020 = arith.constant 100 : i32
      %lt3A_1021 = vector.broadcast %lt3A_1020 : i32 to vector<16xi32>
      %lt3A_1022 = arith.cmpi slt, %get3A_1016, %lt3A_1021 : vector<16xi32>
      %and3A_1023 = arith.andi %ge3A_1019, %lt3A_1022 : vector<16xi1>
      %add3A_1024 = arith.constant 336 : i32
      %add3A_1025 = vector.broadcast %add3A_1024 : i32 to vector<16xi32>
      %add3A_1026 = arith.addi %iota3A, %add3A_1025 : vector<16xi32>
      tpu.vector_store_idx %arg5[%add3A_1026, %get3A_1016], %broadcast_in_dim3A_7 masked %and3A_1023 : memref<784x100xi32, #tpu.memory_space<vmem>>[vector<16xi32>, vector<16xi32>], vector<16xi32>, vector<16xi1>
      %add3A_1027 = arith.constant 352 : i32
      %add3A_1028 = arith.addi %mul3A_21, %add3A_1027 : i32
      %get3A_1029 = arith.index_cast %add3A_1028 : i32 to index
      %get3A_1030 = tpu.vector_load %arg4[%get3A_1029] {strides = array<i32>} : memref<12544xi32, #tpu.memory_space<vmem>>, vector<16xi32>,
      %ge3A_1031 = arith.constant 0 : i32
      %ge3A_1032 = vector.broadcast %ge3A_1031 : i32 to vector<16xi32>
      %ge3A_1033 = arith.cmpi sge, %get3A_1030, %ge3A_1032 : vector<16xi32>
      %lt3A_1034 = arith.constant 100 : i32
      %lt3A_1035 = vector.broadcast %lt3A_1034 : i32 to vector<16xi32>
      %lt3A_1036 = arith.cmpi slt, %get3A_1030, %lt3A_1035 : vector<16xi32>
      %and3A_1037 = arith.andi %ge3A_1033, %lt3A_1036 : vector<16xi1>
      %add3A_1038 = arith.constant 352 : i32
      %add3A_1039 = vector.broadcast %add3A_1038 : i32 to vector<16xi32>
      %add3A_1040 = arith.addi %iota3A, %add3A_1039 : vector<16xi32>
      tpu.vector_store_idx %arg5[%add3A_1040, %get3A_1030], %broadcast_in_dim3A_7 masked %and3A_1037 : memref<784x100xi32, #tpu.memory_space<vmem>>[vector<16xi32>, vector<16xi32>], vector<16xi32>, vector<16xi1>
      %add3A_1041 = arith.constant 368 : i32
      %add3A_1042 = arith.addi %mul3A_21, %add3A_1041 : i32
      %get3A_1043 = arith.index_cast %add3A_1042 : i32 to index
      %get3A_1044 = tpu.vector_load %arg4[%get3A_1043] {strides = array<i32>} : memref<12544xi32, #tpu.memory_space<vmem>>, vector<16xi32>,
      %ge3A_1045 = arith.constant 0 : i32
      %ge3A_1046 = vector.broadcast %ge3A_1045 : i32 to vector<16xi32>
      %ge3A_1047 = arith.cmpi sge, %get3A_1044, %ge3A_1046 : vector<16xi32>
      %lt3A_1048 = arith.constant 100 : i32
      %lt3A_1049 = vector.broadcast %lt3A_1048 : i32 to vector<16xi32>
      %lt3A_1050 = arith.cmpi slt, %get3A_1044, %lt3A_1049 : vector<16xi32>
      %and3A_1051 = arith.andi %ge3A_1047, %lt3A_1050 : vector<16xi1>
      %add3A_1052 = arith.constant 368 : i32
      %add3A_1053 = vector.broadcast %add3A_1052 : i32 to vector<16xi32>
      %add3A_1054 = arith.addi %iota3A, %add3A_1053 : vector<16xi32>
      tpu.vector_store_idx %arg5[%add3A_1054, %get3A_1044], %broadcast_in_dim3A_7 masked %and3A_1051 : memref<784x100xi32, #tpu.memory_space<vmem>>[vector<16xi32>, vector<16xi32>], vector<16xi32>, vector<16xi1>
      %add3A_1055 = arith.constant 384 : i32
      %add3A_1056 = arith.addi %mul3A_21, %add3A_1055 : i32
      %get3A_1057 = arith.index_cast %add3A_1056 : i32 to index
      %get3A_1058 = tpu.vector_load %arg4[%get3A_1057] {strides = array<i32>} : memref<12544xi32, #tpu.memory_space<vmem>>, vector<16xi32>,
      %ge3A_1059 = arith.constant 0 : i32
      %ge3A_1060 = vector.broadcast %ge3A_1059 : i32 to vector<16xi32>
      %ge3A_1061 = arith.cmpi sge, %get3A_1058, %ge3A_1060 : vector<16xi32>
      %lt3A_1062 = arith.constant 100 : i32
      %lt3A_1063 = vector.broadcast %lt3A_1062 : i32 to vector<16xi32>
      %lt3A_1064 = arith.cmpi slt, %get3A_1058, %lt3A_1063 : vector<16xi32>
      %and3A_1065 = arith.andi %ge3A_1061, %lt3A_1064 : vector<16xi1>
      %add3A_1066 = arith.constant 384 : i32
      %add3A_1067 = vector.broadcast %add3A_1066 : i32 to vector<16xi32>
      %add3A_1068 = arith.addi %iota3A, %add3A_1067 : vector<16xi32>
      tpu.vector_store_idx %arg5[%add3A_1068, %get3A_1058], %broadcast_in_dim3A_7 masked %and3A_1065 : memref<784x100xi32, #tpu.memory_space<vmem>>[vector<16xi32>, vector<16xi32>], vector<16xi32>, vector<16xi1>
      %add3A_1069 = arith.constant 400 : i32
      %add3A_1070 = arith.addi %mul3A_21, %add3A_1069 : i32
      %get3A_1071 = arith.index_cast %add3A_1070 : i32 to index
      %get3A_1072 = tpu.vector_load %arg4[%get3A_1071] {strides = array<i32>} : memref<12544xi32, #tpu.memory_space<vmem>>, vector<16xi32>,
      %ge3A_1073 = arith.constant 0 : i32
      %ge3A_1074 = vector.broadcast %ge3A_1073 : i32 to vector<16xi32>
      %ge3A_1075 = arith.cmpi sge, %get3A_1072, %ge3A_1074 : vector<16xi32>
      %lt3A_1076 = arith.constant 100 : i32
      %lt3A_1077 = vector.broadcast %lt3A_1076 : i32 to vector<16xi32>
      %lt3A_1078 = arith.cmpi slt, %get3A_1072, %lt3A_1077 : vector<16xi32>
      %and3A_1079 = arith.andi %ge3A_1075, %lt3A_1078 : vector<16xi1>
      %add3A_1080 = arith.constant 400 : i32
      %add3A_1081 = vector.broadcast %add3A_1080 : i32 to vector<16xi32>
      %add3A_1082 = arith.addi %iota3A, %add3A_1081 : vector<16xi32>
      tpu.vector_store_idx %arg5[%add3A_1082, %get3A_1072], %broadcast_in_dim3A_7 masked %and3A_1079 : memref<784x100xi32, #tpu.memory_space<vmem>>[vector<16xi32>, vector<16xi32>], vector<16xi32>, vector<16xi1>
      %add3A_1083 = arith.constant 416 : i32
      %add3A_1084 = arith.addi %mul3A_21, %add3A_1083 : i32
      %get3A_1085 = arith.index_cast %add3A_1084 : i32 to index
      %get3A_1086 = tpu.vector_load %arg4[%get3A_1085] {strides = array<i32>} : memref<12544xi32, #tpu.memory_space<vmem>>, vector<16xi32>,
      %ge3A_1087 = arith.constant 0 : i32
      %ge3A_1088 = vector.broadcast %ge3A_1087 : i32 to vector<16xi32>
      %ge3A_1089 = arith.cmpi sge, %get3A_1086, %ge3A_1088 : vector<16xi32>
      %lt3A_1090 = arith.constant 100 : i32
      %lt3A_1091 = vector.broadcast %lt3A_1090 : i32 to vector<16xi32>
      %lt3A_1092 = arith.cmpi slt, %get3A_1086, %lt3A_1091 : vector<16xi32>
      %and3A_1093 = arith.andi %ge3A_1089, %lt3A_1092 : vector<16xi1>
      %add3A_1094 = arith.constant 416 : i32
      %add3A_1095 = vector.broadcast %add3A_1094 : i32 to vector<16xi32>
      %add3A_1096 = arith.addi %iota3A, %add3A_1095 : vector<16xi32>
      tpu.vector_store_idx %arg5[%add3A_1096, %get3A_1086], %broadcast_in_dim3A_7 masked %and3A_1093 : memref<784x100xi32, #tpu.memory_space<vmem>>[vector<16xi32>, vector<16xi32>], vector<16xi32>, vector<16xi1>
      %add3A_1097 = arith.constant 432 : i32
      %add3A_1098 = arith.addi %mul3A_21, %add3A_1097 : i32
      %get3A_1099 = arith.index_cast %add3A_1098 : i32 to index
      %get3A_1100 = tpu.vector_load %arg4[%get3A_1099] {strides = array<i32>} : memref<12544xi32, #tpu.memory_space<vmem>>, vector<16xi32>,
      %ge3A_1101 = arith.constant 0 : i32
      %ge3A_1102 = vector.broadcast %ge3A_1101 : i32 to vector<16xi32>
      %ge3A_1103 = arith.cmpi sge, %get3A_1100, %ge3A_1102 : vector<16xi32>
      %lt3A_1104 = arith.constant 100 : i32
      %lt3A_1105 = vector.broadcast %lt3A_1104 : i32 to vector<16xi32>
      %lt3A_1106 = arith.cmpi slt, %get3A_1100, %lt3A_1105 : vector<16xi32>
      %and3A_1107 = arith.andi %ge3A_1103, %lt3A_1106 : vector<16xi1>
      %add3A_1108 = arith.constant 432 : i32
      %add3A_1109 = vector.broadcast %add3A_1108 : i32 to vector<16xi32>
      %add3A_1110 = arith.addi %iota3A, %add3A_1109 : vector<16xi32>
      tpu.vector_store_idx %arg5[%add3A_1110, %get3A_1100], %broadcast_in_dim3A_7 masked %and3A_1107 : memref<784x100xi32, #tpu.memory_space<vmem>>[vector<16xi32>, vector<16xi32>], vector<16xi32>, vector<16xi1>
      %add3A_1111 = arith.constant 448 : i32
      %add3A_1112 = arith.addi %mul3A_21, %add3A_1111 : i32
      %get3A_1113 = arith.index_cast %add3A_1112 : i32 to index
      %get3A_1114 = tpu.vector_load %arg4[%get3A_1113] {strides = array<i32>} : memref<12544xi32, #tpu.memory_space<vmem>>, vector<16xi32>,
      %ge3A_1115 = arith.constant 0 : i32
      %ge3A_1116 = vector.broadcast %ge3A_1115 : i32 to vector<16xi32>
      %ge3A_1117 = arith.cmpi sge, %get3A_1114, %ge3A_1116 : vector<16xi32>
      %lt3A_1118 = arith.constant 100 : i32
      %lt3A_1119 = vector.broadcast %lt3A_1118 : i32 to vector<16xi32>
      %lt3A_1120 = arith.cmpi slt, %get3A_1114, %lt3A_1119 : vector<16xi32>
      %and3A_1121 = arith.andi %ge3A_1117, %lt3A_1120 : vector<16xi1>
      %add3A_1122 = arith.constant 448 : i32
      %add3A_1123 = vector.broadcast %add3A_1122 : i32 to vector<16xi32>
      %add3A_1124 = arith.addi %iota3A, %add3A_1123 : vector<16xi32>
      tpu.vector_store_idx %arg5[%add3A_1124, %get3A_1114], %broadcast_in_dim3A_7 masked %and3A_1121 : memref<784x100xi32, #tpu.memory_space<vmem>>[vector<16xi32>, vector<16xi32>], vector<16xi32>, vector<16xi1>
      %add3A_1125 = arith.constant 464 : i32
      %add3A_1126 = arith.addi %mul3A_21, %add3A_1125 : i32
      %get3A_1127 = arith.index_cast %add3A_1126 : i32 to index
      %get3A_1128 = tpu.vector_load %arg4[%get3A_1127] {strides = array<i32>} : memref<12544xi32, #tpu.memory_space<vmem>>, vector<16xi32>,
      %ge3A_1129 = arith.constant 0 : i32
      %ge3A_1130 = vector.broadcast %ge3A_1129 : i32 to vector<16xi32>
      %ge3A_1131 = arith.cmpi sge, %get3A_1128, %ge3A_1130 : vector<16xi32>
      %lt3A_1132 = arith.constant 100 : i32
      %lt3A_1133 = vector.broadcast %lt3A_1132 : i32 to vector<16xi32>
      %lt3A_1134 = arith.cmpi slt, %get3A_1128, %lt3A_1133 : vector<16xi32>
      %and3A_1135 = arith.andi %ge3A_1131, %lt3A_1134 : vector<16xi1>
      %add3A_1136 = arith.constant 464 : i32
      %add3A_1137 = vector.broadcast %add3A_1136 : i32 to vector<16xi32>
      %add3A_1138 = arith.addi %iota3A, %add3A_1137 : vector<16xi32>
      tpu.vector_store_idx %arg5[%add3A_1138, %get3A_1128], %broadcast_in_dim3A_7 masked %and3A_1135 : memref<784x100xi32, #tpu.memory_space<vmem>>[vector<16xi32>, vector<16xi32>], vector<16xi32>, vector<16xi1>
      %add3A_1139 = arith.constant 480 : i32
      %add3A_1140 = arith.addi %mul3A_21, %add3A_1139 : i32
      %get3A_1141 = arith.index_cast %add3A_1140 : i32 to index
      %get3A_1142 = tpu.vector_load %arg4[%get3A_1141] {strides = array<i32>} : memref<12544xi32, #tpu.memory_space<vmem>>, vector<16xi32>,
      %ge3A_1143 = arith.constant 0 : i32
      %ge3A_1144 = vector.broadcast %ge3A_1143 : i32 to vector<16xi32>
      %ge3A_1145 = arith.cmpi sge, %get3A_1142, %ge3A_1144 : vector<16xi32>
      %lt3A_1146 = arith.constant 100 : i32
      %lt3A_1147 = vector.broadcast %lt3A_1146 : i32 to vector<16xi32>
      %lt3A_1148 = arith.cmpi slt, %get3A_1142, %lt3A_1147 : vector<16xi32>
      %and3A_1149 = arith.andi %ge3A_1145, %lt3A_1148 : vector<16xi1>
      %add3A_1150 = arith.constant 480 : i32
      %add3A_1151 = vector.broadcast %add3A_1150 : i32 to vector<16xi32>
      %add3A_1152 = arith.addi %iota3A, %add3A_1151 : vector<16xi32>
      tpu.vector_store_idx %arg5[%add3A_1152, %get3A_1142], %broadcast_in_dim3A_7 masked %and3A_1149 : memref<784x100xi32, #tpu.memory_space<vmem>>[vector<16xi32>, vector<16xi32>], vector<16xi32>, vector<16xi1>
      %add3A_1153 = arith.constant 496 : i32
      %add3A_1154 = arith.addi %mul3A_21, %add3A_1153 : i32
      %get3A_1155 = arith.index_cast %add3A_1154 : i32 to index
      %get3A_1156 = tpu.vector_load %arg4[%get3A_1155] {strides = array<i32>} : memref<12544xi32, #tpu.memory_space<vmem>>, vector<16xi32>,
      %ge3A_1157 = arith.constant 0 : i32
      %ge3A_1158 = vector.broadcast %ge3A_1157 : i32 to vector<16xi32>
      %ge3A_1159 = arith.cmpi sge, %get3A_1156, %ge3A_1158 : vector<16xi32>
      %lt3A_1160 = arith.constant 100 : i32
      %lt3A_1161 = vector.broadcast %lt3A_1160 : i32 to vector<16xi32>
      %lt3A_1162 = arith.cmpi slt, %get3A_1156, %lt3A_1161 : vector<16xi32>
      %and3A_1163 = arith.andi %ge3A_1159, %lt3A_1162 : vector<16xi1>
      %add3A_1164 = arith.constant 496 : i32
      %add3A_1165 = vector.broadcast %add3A_1164 : i32 to vector<16xi32>
      %add3A_1166 = arith.addi %iota3A, %add3A_1165 : vector<16xi32>
      tpu.vector_store_idx %arg5[%add3A_1166, %get3A_1156], %broadcast_in_dim3A_7 masked %and3A_1163 : memref<784x100xi32, #tpu.memory_space<vmem>>[vector<16xi32>, vector<16xi32>], vector<16xi32>, vector<16xi1>
      %add3A_1167 = arith.constant 512 : i32
      %add3A_1168 = arith.addi %mul3A_21, %add3A_1167 : i32
      %get3A_1169 = arith.index_cast %add3A_1168 : i32 to index
      %get3A_1170 = tpu.vector_load %arg4[%get3A_1169] {strides = array<i32>} : memref<12544xi32, #tpu.memory_space<vmem>>, vector<16xi32>,
      %ge3A_1171 = arith.constant 0 : i32
      %ge3A_1172 = vector.broadcast %ge3A_1171 : i32 to vector<16xi32>
      %ge3A_1173 = arith.cmpi sge, %get3A_1170, %ge3A_1172 : vector<16xi32>
      %lt3A_1174 = arith.constant 100 : i32
      %lt3A_1175 = vector.broadcast %lt3A_1174 : i32 to vector<16xi32>
      %lt3A_1176 = arith.cmpi slt, %get3A_1170, %lt3A_1175 : vector<16xi32>
      %and3A_1177 = arith.andi %ge3A_1173, %lt3A_1176 : vector<16xi1>
      %add3A_1178 = arith.constant 512 : i32
      %add3A_1179 = vector.broadcast %add3A_1178 : i32 to vector<16xi32>
      %add3A_1180 = arith.addi %iota3A, %add3A_1179 : vector<16xi32>
      tpu.vector_store_idx %arg5[%add3A_1180, %get3A_1170], %broadcast_in_dim3A_7 masked %and3A_1177 : memref<784x100xi32, #tpu.memory_space<vmem>>[vector<16xi32>, vector<16xi32>], vector<16xi32>, vector<16xi1>
      %add3A_1181 = arith.constant 528 : i32
      %add3A_1182 = arith.addi %mul3A_21, %add3A_1181 : i32
      %get3A_1183 = arith.index_cast %add3A_1182 : i32 to index
      %get3A_1184 = tpu.vector_load %arg4[%get3A_1183] {strides = array<i32>} : memref<12544xi32, #tpu.memory_space<vmem>>, vector<16xi32>,
      %ge3A_1185 = arith.constant 0 : i32
      %ge3A_1186 = vector.broadcast %ge3A_1185 : i32 to vector<16xi32>
      %ge3A_1187 = arith.cmpi sge, %get3A_1184, %ge3A_1186 : vector<16xi32>
      %lt3A_1188 = arith.constant 100 : i32
      %lt3A_1189 = vector.broadcast %lt3A_1188 : i32 to vector<16xi32>
      %lt3A_1190 = arith.cmpi slt, %get3A_1184, %lt3A_1189 : vector<16xi32>
      %and3A_1191 = arith.andi %ge3A_1187, %lt3A_1190 : vector<16xi1>
      %add3A_1192 = arith.constant 528 : i32
      %add3A_1193 = vector.broadcast %add3A_1192 : i32 to vector<16xi32>
      %add3A_1194 = arith.addi %iota3A, %add3A_1193 : vector<16xi32>
      tpu.vector_store_idx %arg5[%add3A_1194, %get3A_1184], %broadcast_in_dim3A_7 masked %and3A_1191 : memref<784x100xi32, #tpu.memory_space<vmem>>[vector<16xi32>, vector<16xi32>], vector<16xi32>, vector<16xi1>
      %add3A_1195 = arith.constant 544 : i32
      %add3A_1196 = arith.addi %mul3A_21, %add3A_1195 : i32
      %get3A_1197 = arith.index_cast %add3A_1196 : i32 to index
      %get3A_1198 = tpu.vector_load %arg4[%get3A_1197] {strides = array<i32>} : memref<12544xi32, #tpu.memory_space<vmem>>, vector<16xi32>,
      %ge3A_1199 = arith.constant 0 : i32
      %ge3A_1200 = vector.broadcast %ge3A_1199 : i32 to vector<16xi32>
      %ge3A_1201 = arith.cmpi sge, %get3A_1198, %ge3A_1200 : vector<16xi32>
      %lt3A_1202 = arith.constant 100 : i32
      %lt3A_1203 = vector.broadcast %lt3A_1202 : i32 to vector<16xi32>
      %lt3A_1204 = arith.cmpi slt, %get3A_1198, %lt3A_1203 : vector<16xi32>
      %and3A_1205 = arith.andi %ge3A_1201, %lt3A_1204 : vector<16xi1>
      %add3A_1206 = arith.constant 544 : i32
      %add3A_1207 = vector.broadcast %add3A_1206 : i32 to vector<16xi32>
      %add3A_1208 = arith.addi %iota3A, %add3A_1207 : vector<16xi32>
      tpu.vector_store_idx %arg5[%add3A_1208, %get3A_1198], %broadcast_in_dim3A_7 masked %and3A_1205 : memref<784x100xi32, #tpu.memory_space<vmem>>[vector<16xi32>, vector<16xi32>], vector<16xi32>, vector<16xi1>
      %add3A_1209 = arith.constant 560 : i32
      %add3A_1210 = arith.addi %mul3A_21, %add3A_1209 : i32
      %get3A_1211 = arith.index_cast %add3A_1210 : i32 to index
      %get3A_1212 = tpu.vector_load %arg4[%get3A_1211] {strides = array<i32>} : memref<12544xi32, #tpu.memory_space<vmem>>, vector<16xi32>,
      %ge3A_1213 = arith.constant 0 : i32
      %ge3A_1214 = vector.broadcast %ge3A_1213 : i32 to vector<16xi32>
      %ge3A_1215 = arith.cmpi sge, %get3A_1212, %ge3A_1214 : vector<16xi32>
      %lt3A_1216 = arith.constant 100 : i32
      %lt3A_1217 = vector.broadcast %lt3A_1216 : i32 to vector<16xi32>
      %lt3A_1218 = arith.cmpi slt, %get3A_1212, %lt3A_1217 : vector<16xi32>
      %and3A_1219 = arith.andi %ge3A_1215, %lt3A_1218 : vector<16xi1>
      %add3A_1220 = arith.constant 560 : i32
      %add3A_1221 = vector.broadcast %add3A_1220 : i32 to vector<16xi32>
      %add3A_1222 = arith.addi %iota3A, %add3A_1221 : vector<16xi32>
      tpu.vector_store_idx %arg5[%add3A_1222, %get3A_1212], %broadcast_in_dim3A_7 masked %and3A_1219 : memref<784x100xi32, #tpu.memory_space<vmem>>[vector<16xi32>, vector<16xi32>], vector<16xi32>, vector<16xi1>
      %add3A_1223 = arith.constant 576 : i32
      %add3A_1224 = arith.addi %mul3A_21, %add3A_1223 : i32
      %get3A_1225 = arith.index_cast %add3A_1224 : i32 to index
      %get3A_1226 = tpu.vector_load %arg4[%get3A_1225] {strides = array<i32>} : memref<12544xi32, #tpu.memory_space<vmem>>, vector<16xi32>,
      %ge3A_1227 = arith.constant 0 : i32
      %ge3A_1228 = vector.broadcast %ge3A_1227 : i32 to vector<16xi32>
      %ge3A_1229 = arith.cmpi sge, %get3A_1226, %ge3A_1228 : vector<16xi32>
      %lt3A_1230 = arith.constant 100 : i32
      %lt3A_1231 = vector.broadcast %lt3A_1230 : i32 to vector<16xi32>
      %lt3A_1232 = arith.cmpi slt, %get3A_1226, %lt3A_1231 : vector<16xi32>
      %and3A_1233 = arith.andi %ge3A_1229, %lt3A_1232 : vector<16xi1>
      %add3A_1234 = arith.constant 576 : i32
      %add3A_1235 = vector.broadcast %add3A_1234 : i32 to vector<16xi32>
      %add3A_1236 = arith.addi %iota3A, %add3A_1235 : vector<16xi32>
      tpu.vector_store_idx %arg5[%add3A_1236, %get3A_1226], %broadcast_in_dim3A_7 masked %and3A_1233 : memref<784x100xi32, #tpu.memory_space<vmem>>[vector<16xi32>, vector<16xi32>], vector<16xi32>, vector<16xi1>
      %add3A_1237 = arith.constant 592 : i32
      %add3A_1238 = arith.addi %mul3A_21, %add3A_1237 : i32
      %get3A_1239 = arith.index_cast %add3A_1238 : i32 to index
      %get3A_1240 = tpu.vector_load %arg4[%get3A_1239] {strides = array<i32>} : memref<12544xi32, #tpu.memory_space<vmem>>, vector<16xi32>,
      %ge3A_1241 = arith.constant 0 : i32
      %ge3A_1242 = vector.broadcast %ge3A_1241 : i32 to vector<16xi32>
      %ge3A_1243 = arith.cmpi sge, %get3A_1240, %ge3A_1242 : vector<16xi32>
      %lt3A_1244 = arith.constant 100 : i32
      %lt3A_1245 = vector.broadcast %lt3A_1244 : i32 to vector<16xi32>
      %lt3A_1246 = arith.cmpi slt, %get3A_1240, %lt3A_1245 : vector<16xi32>
      %and3A_1247 = arith.andi %ge3A_1243, %lt3A_1246 : vector<16xi1>
      %add3A_1248 = arith.constant 592 : i32
      %add3A_1249 = vector.broadcast %add3A_1248 : i32 to vector<16xi32>
      %add3A_1250 = arith.addi %iota3A, %add3A_1249 : vector<16xi32>
      tpu.vector_store_idx %arg5[%add3A_1250, %get3A_1240], %broadcast_in_dim3A_7 masked %and3A_1247 : memref<784x100xi32, #tpu.memory_space<vmem>>[vector<16xi32>, vector<16xi32>], vector<16xi32>, vector<16xi1>
      %add3A_1251 = arith.constant 608 : i32
      %add3A_1252 = arith.addi %mul3A_21, %add3A_1251 : i32
      %get3A_1253 = arith.index_cast %add3A_1252 : i32 to index
      %get3A_1254 = tpu.vector_load %arg4[%get3A_1253] {strides = array<i32>} : memref<12544xi32, #tpu.memory_space<vmem>>, vector<16xi32>,
      %ge3A_1255 = arith.constant 0 : i32
      %ge3A_1256 = vector.broadcast %ge3A_1255 : i32 to vector<16xi32>
      %ge3A_1257 = arith.cmpi sge, %get3A_1254, %ge3A_1256 : vector<16xi32>
      %lt3A_1258 = arith.constant 100 : i32
      %lt3A_1259 = vector.broadcast %lt3A_1258 : i32 to vector<16xi32>
      %lt3A_1260 = arith.cmpi slt, %get3A_1254, %lt3A_1259 : vector<16xi32>
      %and3A_1261 = arith.andi %ge3A_1257, %lt3A_1260 : vector<16xi1>
      %add3A_1262 = arith.constant 608 : i32
      %add3A_1263 = vector.broadcast %add3A_1262 : i32 to vector<16xi32>
      %add3A_1264 = arith.addi %iota3A, %add3A_1263 : vector<16xi32>
      tpu.vector_store_idx %arg5[%add3A_1264, %get3A_1254], %broadcast_in_dim3A_7 masked %and3A_1261 : memref<784x100xi32, #tpu.memory_space<vmem>>[vector<16xi32>, vector<16xi32>], vector<16xi32>, vector<16xi1>
      %add3A_1265 = arith.constant 624 : i32
      %add3A_1266 = arith.addi %mul3A_21, %add3A_1265 : i32
      %get3A_1267 = arith.index_cast %add3A_1266 : i32 to index
      %get3A_1268 = tpu.vector_load %arg4[%get3A_1267] {strides = array<i32>} : memref<12544xi32, #tpu.memory_space<vmem>>, vector<16xi32>,
      %ge3A_1269 = arith.constant 0 : i32
      %ge3A_1270 = vector.broadcast %ge3A_1269 : i32 to vector<16xi32>
      %ge3A_1271 = arith.cmpi sge, %get3A_1268, %ge3A_1270 : vector<16xi32>
      %lt3A_1272 = arith.constant 100 : i32
      %lt3A_1273 = vector.broadcast %lt3A_1272 : i32 to vector<16xi32>
      %lt3A_1274 = arith.cmpi slt, %get3A_1268, %lt3A_1273 : vector<16xi32>
      %and3A_1275 = arith.andi %ge3A_1271, %lt3A_1274 : vector<16xi1>
      %add3A_1276 = arith.constant 624 : i32
      %add3A_1277 = vector.broadcast %add3A_1276 : i32 to vector<16xi32>
      %add3A_1278 = arith.addi %iota3A, %add3A_1277 : vector<16xi32>
      tpu.vector_store_idx %arg5[%add3A_1278, %get3A_1268], %broadcast_in_dim3A_7 masked %and3A_1275 : memref<784x100xi32, #tpu.memory_space<vmem>>[vector<16xi32>, vector<16xi32>], vector<16xi32>, vector<16xi1>
      %add3A_1279 = arith.constant 640 : i32
      %add3A_1280 = arith.addi %mul3A_21, %add3A_1279 : i32
      %get3A_1281 = arith.index_cast %add3A_1280 : i32 to index
      %get3A_1282 = tpu.vector_load %arg4[%get3A_1281] {strides = array<i32>} : memref<12544xi32, #tpu.memory_space<vmem>>, vector<16xi32>,
      %ge3A_1283 = arith.constant 0 : i32
      %ge3A_1284 = vector.broadcast %ge3A_1283 : i32 to vector<16xi32>
      %ge3A_1285 = arith.cmpi sge, %get3A_1282, %ge3A_1284 : vector<16xi32>
      %lt3A_1286 = arith.constant 100 : i32
      %lt3A_1287 = vector.broadcast %lt3A_1286 : i32 to vector<16xi32>
      %lt3A_1288 = arith.cmpi slt, %get3A_1282, %lt3A_1287 : vector<16xi32>
      %and3A_1289 = arith.andi %ge3A_1285, %lt3A_1288 : vector<16xi1>
      %add3A_1290 = arith.constant 640 : i32
      %add3A_1291 = vector.broadcast %add3A_1290 : i32 to vector<16xi32>
      %add3A_1292 = arith.addi %iota3A, %add3A_1291 : vector<16xi32>
      tpu.vector_store_idx %arg5[%add3A_1292, %get3A_1282], %broadcast_in_dim3A_7 masked %and3A_1289 : memref<784x100xi32, #tpu.memory_space<vmem>>[vector<16xi32>, vector<16xi32>], vector<16xi32>, vector<16xi1>
      %add3A_1293 = arith.constant 656 : i32
      %add3A_1294 = arith.addi %mul3A_21, %add3A_1293 : i32
      %get3A_1295 = arith.index_cast %add3A_1294 : i32 to index
      %get3A_1296 = tpu.vector_load %arg4[%get3A_1295] {strides = array<i32>} : memref<12544xi32, #tpu.memory_space<vmem>>, vector<16xi32>,
      %ge3A_1297 = arith.constant 0 : i32
      %ge3A_1298 = vector.broadcast %ge3A_1297 : i32 to vector<16xi32>
      %ge3A_1299 = arith.cmpi sge, %get3A_1296, %ge3A_1298 : vector<16xi32>
      %lt3A_1300 = arith.constant 100 : i32
      %lt3A_1301 = vector.broadcast %lt3A_1300 : i32 to vector<16xi32>
      %lt3A_1302 = arith.cmpi slt, %get3A_1296, %lt3A_1301 : vector<16xi32>
      %and3A_1303 = arith.andi %ge3A_1299, %lt3A_1302 : vector<16xi1>
      %add3A_1304 = arith.constant 656 : i32
      %add3A_1305 = vector.broadcast %add3A_1304 : i32 to vector<16xi32>
      %add3A_1306 = arith.addi %iota3A, %add3A_1305 : vector<16xi32>
      tpu.vector_store_idx %arg5[%add3A_1306, %get3A_1296], %broadcast_in_dim3A_7 masked %and3A_1303 : memref<784x100xi32, #tpu.memory_space<vmem>>[vector<16xi32>, vector<16xi32>], vector<16xi32>, vector<16xi1>
      %add3A_1307 = arith.constant 672 : i32
      %add3A_1308 = arith.addi %mul3A_21, %add3A_1307 : i32
      %get3A_1309 = arith.index_cast %add3A_1308 : i32 to index
      %get3A_1310 = tpu.vector_load %arg4[%get3A_1309] {strides = array<i32>} : memref<12544xi32, #tpu.memory_space<vmem>>, vector<16xi32>,
      %ge3A_1311 = arith.constant 0 : i32
      %ge3A_1312 = vector.broadcast %ge3A_1311 : i32 to vector<16xi32>
      %ge3A_1313 = arith.cmpi sge, %get3A_1310, %ge3A_1312 : vector<16xi32>
      %lt3A_1314 = arith.constant 100 : i32
      %lt3A_1315 = vector.broadcast %lt3A_1314 : i32 to vector<16xi32>
      %lt3A_1316 = arith.cmpi slt, %get3A_1310, %lt3A_1315 : vector<16xi32>
      %and3A_1317 = arith.andi %ge3A_1313, %lt3A_1316 : vector<16xi1>
      %add3A_1318 = arith.constant 672 : i32
      %add3A_1319 = vector.broadcast %add3A_1318 : i32 to vector<16xi32>
      %add3A_1320 = arith.addi %iota3A, %add3A_1319 : vector<16xi32>
      tpu.vector_store_idx %arg5[%add3A_1320, %get3A_1310], %broadcast_in_dim3A_7 masked %and3A_1317 : memref<784x100xi32, #tpu.memory_space<vmem>>[vector<16xi32>, vector<16xi32>], vector<16xi32>, vector<16xi1>
      %add3A_1321 = arith.constant 688 : i32
      %add3A_1322 = arith.addi %mul3A_21, %add3A_1321 : i32
      %get3A_1323 = arith.index_cast %add3A_1322 : i32 to index
      %get3A_1324 = tpu.vector_load %arg4[%get3A_1323] {strides = array<i32>} : memref<12544xi32, #tpu.memory_space<vmem>>, vector<16xi32>,
      %ge3A_1325 = arith.constant 0 : i32
      %ge3A_1326 = vector.broadcast %ge3A_1325 : i32 to vector<16xi32>
      %ge3A_1327 = arith.cmpi sge, %get3A_1324, %ge3A_1326 : vector<16xi32>
      %lt3A_1328 = arith.constant 100 : i32
      %lt3A_1329 = vector.broadcast %lt3A_1328 : i32 to vector<16xi32>
      %lt3A_1330 = arith.cmpi slt, %get3A_1324, %lt3A_1329 : vector<16xi32>
      %and3A_1331 = arith.andi %ge3A_1327, %lt3A_1330 : vector<16xi1>
      %add3A_1332 = arith.constant 688 : i32
      %add3A_1333 = vector.broadcast %add3A_1332 : i32 to vector<16xi32>
      %add3A_1334 = arith.addi %iota3A, %add3A_1333 : vector<16xi32>
      tpu.vector_store_idx %arg5[%add3A_1334, %get3A_1324], %broadcast_in_dim3A_7 masked %and3A_1331 : memref<784x100xi32, #tpu.memory_space<vmem>>[vector<16xi32>, vector<16xi32>], vector<16xi32>, vector<16xi1>
      %add3A_1335 = arith.constant 704 : i32
      %add3A_1336 = arith.addi %mul3A_21, %add3A_1335 : i32
      %get3A_1337 = arith.index_cast %add3A_1336 : i32 to index
      %get3A_1338 = tpu.vector_load %arg4[%get3A_1337] {strides = array<i32>} : memref<12544xi32, #tpu.memory_space<vmem>>, vector<16xi32>,
      %ge3A_1339 = arith.constant 0 : i32
      %ge3A_1340 = vector.broadcast %ge3A_1339 : i32 to vector<16xi32>
      %ge3A_1341 = arith.cmpi sge, %get3A_1338, %ge3A_1340 : vector<16xi32>
      %lt3A_1342 = arith.constant 100 : i32
      %lt3A_1343 = vector.broadcast %lt3A_1342 : i32 to vector<16xi32>
      %lt3A_1344 = arith.cmpi slt, %get3A_1338, %lt3A_1343 : vector<16xi32>
      %and3A_1345 = arith.andi %ge3A_1341, %lt3A_1344 : vector<16xi1>
      %add3A_1346 = arith.constant 704 : i32
      %add3A_1347 = vector.broadcast %add3A_1346 : i32 to vector<16xi32>
      %add3A_1348 = arith.addi %iota3A, %add3A_1347 : vector<16xi32>
      tpu.vector_store_idx %arg5[%add3A_1348, %get3A_1338], %broadcast_in_dim3A_7 masked %and3A_1345 : memref<784x100xi32, #tpu.memory_space<vmem>>[vector<16xi32>, vector<16xi32>], vector<16xi32>, vector<16xi1>
      %add3A_1349 = arith.constant 720 : i32
      %add3A_1350 = arith.addi %mul3A_21, %add3A_1349 : i32
      %get3A_1351 = arith.index_cast %add3A_1350 : i32 to index
      %get3A_1352 = tpu.vector_load %arg4[%get3A_1351] {strides = array<i32>} : memref<12544xi32, #tpu.memory_space<vmem>>, vector<16xi32>,
      %ge3A_1353 = arith.constant 0 : i32
      %ge3A_1354 = vector.broadcast %ge3A_1353 : i32 to vector<16xi32>
      %ge3A_1355 = arith.cmpi sge, %get3A_1352, %ge3A_1354 : vector<16xi32>
      %lt3A_1356 = arith.constant 100 : i32
      %lt3A_1357 = vector.broadcast %lt3A_1356 : i32 to vector<16xi32>
      %lt3A_1358 = arith.cmpi slt, %get3A_1352, %lt3A_1357 : vector<16xi32>
      %and3A_1359 = arith.andi %ge3A_1355, %lt3A_1358 : vector<16xi1>
      %add3A_1360 = arith.constant 720 : i32
      %add3A_1361 = vector.broadcast %add3A_1360 : i32 to vector<16xi32>
      %add3A_1362 = arith.addi %iota3A, %add3A_1361 : vector<16xi32>
      tpu.vector_store_idx %arg5[%add3A_1362, %get3A_1352], %broadcast_in_dim3A_7 masked %and3A_1359 : memref<784x100xi32, #tpu.memory_space<vmem>>[vector<16xi32>, vector<16xi32>], vector<16xi32>, vector<16xi1>
      %add3A_1363 = arith.constant 736 : i32
      %add3A_1364 = arith.addi %mul3A_21, %add3A_1363 : i32
      %get3A_1365 = arith.index_cast %add3A_1364 : i32 to index
      %get3A_1366 = tpu.vector_load %arg4[%get3A_1365] {strides = array<i32>} : memref<12544xi32, #tpu.memory_space<vmem>>, vector<16xi32>,
      %ge3A_1367 = arith.constant 0 : i32
      %ge3A_1368 = vector.broadcast %ge3A_1367 : i32 to vector<16xi32>
      %ge3A_1369 = arith.cmpi sge, %get3A_1366, %ge3A_1368 : vector<16xi32>
      %lt3A_1370 = arith.constant 100 : i32
      %lt3A_1371 = vector.broadcast %lt3A_1370 : i32 to vector<16xi32>
      %lt3A_1372 = arith.cmpi slt, %get3A_1366, %lt3A_1371 : vector<16xi32>
      %and3A_1373 = arith.andi %ge3A_1369, %lt3A_1372 : vector<16xi1>
      %add3A_1374 = arith.constant 736 : i32
      %add3A_1375 = vector.broadcast %add3A_1374 : i32 to vector<16xi32>
      %add3A_1376 = arith.addi %iota3A, %add3A_1375 : vector<16xi32>
      tpu.vector_store_idx %arg5[%add3A_1376, %get3A_1366], %broadcast_in_dim3A_7 masked %and3A_1373 : memref<784x100xi32, #tpu.memory_space<vmem>>[vector<16xi32>, vector<16xi32>], vector<16xi32>, vector<16xi1>
      %add3A_1377 = arith.constant 752 : i32
      %add3A_1378 = arith.addi %mul3A_21, %add3A_1377 : i32
      %get3A_1379 = arith.index_cast %add3A_1378 : i32 to index
      %get3A_1380 = tpu.vector_load %arg4[%get3A_1379] {strides = array<i32>} : memref<12544xi32, #tpu.memory_space<vmem>>, vector<16xi32>,
      %ge3A_1381 = arith.constant 0 : i32
      %ge3A_1382 = vector.broadcast %ge3A_1381 : i32 to vector<16xi32>
      %ge3A_1383 = arith.cmpi sge, %get3A_1380, %ge3A_1382 : vector<16xi32>
      %lt3A_1384 = arith.constant 100 : i32
      %lt3A_1385 = vector.broadcast %lt3A_1384 : i32 to vector<16xi32>
      %lt3A_1386 = arith.cmpi slt, %get3A_1380, %lt3A_1385 : vector<16xi32>
      %and3A_1387 = arith.andi %ge3A_1383, %lt3A_1386 : vector<16xi1>
      %add3A_1388 = arith.constant 752 : i32
      %add3A_1389 = vector.broadcast %add3A_1388 : i32 to vector<16xi32>
      %add3A_1390 = arith.addi %iota3A, %add3A_1389 : vector<16xi32>
      tpu.vector_store_idx %arg5[%add3A_1390, %get3A_1380], %broadcast_in_dim3A_7 masked %and3A_1387 : memref<784x100xi32, #tpu.memory_space<vmem>>[vector<16xi32>, vector<16xi32>], vector<16xi32>, vector<16xi1>
      %add3A_1391 = arith.constant 768 : i32
      %add3A_1392 = arith.addi %mul3A_21, %add3A_1391 : i32
      %get3A_1393 = arith.index_cast %add3A_1392 : i32 to index
      %get3A_1394 = tpu.vector_load %arg4[%get3A_1393] {strides = array<i32>} : memref<12544xi32, #tpu.memory_space<vmem>>, vector<16xi32>,
      %ge3A_1395 = arith.constant 0 : i32
      %ge3A_1396 = vector.broadcast %ge3A_1395 : i32 to vector<16xi32>
      %ge3A_1397 = arith.cmpi sge, %get3A_1394, %ge3A_1396 : vector<16xi32>
      %lt3A_1398 = arith.constant 100 : i32
      %lt3A_1399 = vector.broadcast %lt3A_1398 : i32 to vector<16xi32>
      %lt3A_1400 = arith.cmpi slt, %get3A_1394, %lt3A_1399 : vector<16xi32>
      %and3A_1401 = arith.andi %ge3A_1397, %lt3A_1400 : vector<16xi1>
      %add3A_1402 = arith.constant 768 : i32
      %add3A_1403 = vector.broadcast %add3A_1402 : i32 to vector<16xi32>
      %add3A_1404 = arith.addi %iota3A, %add3A_1403 : vector<16xi32>
      tpu.vector_store_idx %arg5[%add3A_1404, %get3A_1394], %broadcast_in_dim3A_7 masked %and3A_1401 : memref<784x100xi32, #tpu.memory_space<vmem>>[vector<16xi32>, vector<16xi32>], vector<16xi32>, vector<16xi1>
    }
    %scan3A_18 = arith.constant 16 : i32
    return
  }
}

module attributes {stable_mosaic.version = 14 : i64} {
  func.func @_latency_kernel(%arg0: memref<3136x128xf32, #tpu.memory_space<vmem>>, %arg1: memref<3136x128xi32, #tpu.memory_space<vmem>>) attributes {dimension_semantics = [], scalar_prefetch = 0 : i64, scratch_operands = 0 : i64, tpu.core_type = #tpu.core_type<tc>} {
    %get3A = arith.constant 0 : index
    %get3A_0 = arith.constant 0 : index
    %get3A_1 = vector.load %arg0[%get3A, %get3A_0] : memref<3136x128xf32, #tpu.memory_space<vmem>>, vector<3136x128xf32>
    %gt3A = arith.constant 2.000000e-01 : f32
    %gt3A_2 = vector.broadcast %gt3A : f32 to vector<3136x128xf32>
    %gt3A_3 = arith.cmpf ogt, %get3A_1, %gt3A_2 : vector<3136x128xf32>
    %sub3A = arith.constant 2.000000e-01 : f32
    %sub3A_4 = vector.broadcast %sub3A : f32 to vector<3136x128xf32>
    %sub3A_5 = arith.subf %get3A_1, %sub3A_4 : vector<3136x128xf32>
    %div3A = arith.divf %get3A_1, %sub3A_5 : vector<3136x128xf32>
    %jit3A = arith.constant 1.000000e+00 : f32
    %broadcast_in_dim3A = vector.broadcast %jit3A : f32 to vector<3136x128xf32>
    %select_n3A = arith.select %gt3A_3, %div3A, %broadcast_in_dim3A : vector<3136x128xi1>, vector<3136x128xf32>
    %log3A = math.log %select_n3A : vector<3136x128xf32>
    %mul3A = arith.constant 5.000000e-02 : f32
    %mul3A_6 = vector.broadcast %mul3A : f32 to vector<3136x128xf32>
    %mul3A_7 = arith.mulf %mul3A_6, %log3A : vector<3136x128xf32>
    %mul3A_8 = arith.constant 1.000000e+02 : f32
    %mul3A_9 = vector.broadcast %mul3A_8 : f32 to vector<3136x128xf32>
    %mul3A_10 = arith.mulf %mul3A_7, %mul3A_9 : vector<3136x128xf32>
    %convert_element_type3A = arith.fptosi %mul3A_10 : vector<3136x128xf32> to vector<3136x128xi32>
    %jit3A_11 = arith.constant -1 : i32
    %broadcast_in_dim3A_12 = vector.broadcast %jit3A_11 : i32 to vector<3136x128xi32>
    %select_n3A_13 = arith.select %gt3A_3, %convert_element_type3A, %broadcast_in_dim3A_12 : vector<3136x128xi1>, vector<3136x128xi32>
    %swap3A = arith.constant 0 : index
    %swap3A_14 = arith.constant 0 : index
    %swap3A_15 = vector.load %arg1[%swap3A, %swap3A_14] : memref<3136x128xi32, #tpu.memory_space<vmem>>, vector<3136x128xi32>
    tpu.vector_store %arg1[%swap3A, %swap3A_14], %select_n3A_13 {strides = array<i32>} : memref<3136x128xi32, #tpu.memory_space<vmem>>, vector<3136x128xi32>,
    return
  }
}

</mosaic_0001>

<sc_bundles>
// kernel: kernel.4.cloned.1.call-start
scs
__scs_entry_jumppad:
0x0: {  	(pc) =	sbr.rel $0x88, $3  }
0x1: {  	(tag) =	ssettag $0x0;
	lr =	simm.s32 $0x1  }
0x2: {  	[smem:$0x3FA0] =	sst lr;
	_ =	strace $0xD0000000  }
0x3: {  	_ = 	snop  }
0x4: {  	_ = 	snop  }
0x5: {  	_ = 	snop  }
0x6: {  	_ = 	snop  }
0x7: {  	_ = 	snop  }
__scs_overlays_trampoline_lowered:
0x8: {  	[smem:$0x3FAF] =	sst s0  }
0x9: {  	[smem:$0x3FB0] =	sst s1  }
0xa: {  	[smem:$0x3FB1] =	sst s2  }
0xb: {  	[smem:$0x3FB2] =	sst s3  }
0xc: {  	[smem:$0x3FB3] =	sst s4  }
0xd: {  	[smem:$0x3FB4] =	sst s5  }
0xe: {  	[smem:$0x3FB5] =	sst s6  }
0xf: {  	[smem:$0x3FB6] =	sst s7  }
0x10: {  	[smem:$0x3FB7] =	sst s8  }
0x11: {  	[smem:$0x3FB8] =	sst s9;
	s0 =	simm.s32 @!p0 $0x0  }
0x12: {  	s1 =	sld [smem:$0x3F9E];
	s0 =	simm.s32 @p0 $0x1  }
0x13: {  	[smem:$0x3FB9] =	sst s0;
	s0 =	simm.s32 @!p1 $0x0  }
0x14: {  	s2 =	sld [smem:$0x3F9D];
	s0 =	simm.s32 @p1 $0x1  }
0x15: {  	[smem:$0x3FBA] =	sst s0;
	s0 =	simm.s32 @!p2 $0x0  }
0x16: {  	s3 =	sld [smem:$0x3FDB];
	s0 =	simm.s32 @p2 $0x1  }
0x17: {  	s4 =	simm.s32 $0x1BF5;
	[smem:$0x3FBC] =	sst s0  }
0x18: {  	s0 =	sld [smem:$0x3F9F];
	_ =	swait.ge [sflag:s4], $0x0  }
0x19: {  	s7 =	sld [smem:$0x3FA0]  }
0x1a: {  	s8 =	sadd.s32 $0xFFFFE003, lr  }
0x1b: {  	s9 =	sadd.s32 $0xFFFFFEF7, lr;
	s5 =	simm.s32 $0xFFFFFFFF;
	p2 =	slt.u32 s8, $0xFFFFF086  }
0x1c: {  	p1 =	slt.u32 s9, $0xF7A;
	s5 =	simm.s32 @!p2 $0x0  }
0x1d: {  	s5 =	simm.s32 @p1 $0x1;
	p0 =	seq.s32 s7, s2  }
0x1e: {  	s7 =	smul.u32 @!p0 $0xF7A, s2;
	p2 =	seq.s32 @!p0 s5, $0x0  }
0x1f: {  	s9 =	smul.u32 $0xF7A, s1;
	s8 =	simm.s32 @!p0 $0x1BF5;
	p2 =	por !p2, p0  }
0x20: {  	[sflag:s8] =	ssyncset.s32 @!p0 $0xFFFFF086;
	s6 =	sadd.s32 @!p0 s3, s7;
	s7 =	simm.s32 @!p0 $0x108  }
0x21: {  	s3 =	sadd.s32 s3, s9;
	s6 =	sadd.s32 @!p0 $0x88, s6;
	s7 =	simm.s32 @p2 $0x1082  }
0x22: {  	[simem:s7], [sflag:s8] =	dma.local @!p0 [hbm:s6], $0xF7A  }
0x23: {  	s9 =	sor.u32 $0xD0000000, s2;
	s6 =	simm.s32 $0x108;
	_ =	swait.ge @!p0 [sflag:s8], $0x0  }
0x24: {  	s3 =	sadd.s32 $0x88, s3;
	s6 =	simm.s32 @!p1 $0x1082;
	[sflag:s4] =	ssyncset.s32 $0xFFFFF086  }
0x25: {  	[simem:s6], [sflag:s4] =	dma.local [hbm:s3], $0xF7A  }
0x26: {  	[smem:$0x3FA0] =	sst s1;
	(tag) =	ssettag s2;
	_ =	strace s9  }
0x27: {  	s1 =	sld [smem:$0x3FB0]  }
0x28: {  	s2 =	sld [smem:$0x3FB1]  }
0x29: {  	s4 =	sld [smem:$0x3FB3]  }
0x2a: {  	p0 =	seq.s32 s5, $0x0;
	s5 =	sld [smem:$0x3FB4]  }
0x2b: {  	s6 =	sld [smem:$0x3FB5]  }
0x2c: {  	s7 =	sld [smem:$0x3FB6]  }
0x2d: {  	s3 =	simm.s32 $0x108;
	s8 =	sld [smem:$0x3FB7]  }
0x2e: {  	s3 =	simm.s32 @!p0 $0x1082;
	s9 =	sld [smem:$0x3FB8]  }
0x2f: {  	lr =	sadd.s32 s0, s3;
	s0 =	sld [smem:$0x3FAF]  }
0x30: {  	s3 =	sld [smem:$0x3FB2]  }
0x31: {  	[smem:$0x3FBB] =	sst s10  }
0x32: {  	s10 =	sld [smem:$0x3FB9];
	_ =	sdelay $0x3  }
0x33: {  	p0 =	seq.s32 s10, $0x1;
	s10 =	sld [smem:$0x3FBB];
	_ =	sdelay $0x3  }
0x34: {  	[smem:$0x3FBB] =	sst s10  }
0x35: {  	s10 =	sld [smem:$0x3FBA];
	_ =	sdelay $0x3  }
0x36: {  	p1 =	seq.s32 s10, $0x1;
	s10 =	sld [smem:$0x3FBB];
	_ =	sdelay $0x3  }
0x37: {  	[smem:$0x3FBB] =	sst s10  }
0x38: {  	s10 =	sld [smem:$0x3FBC]  }
0x39: {  	_ = 	snop;
	(pc) =	sbr.ind lr, $3  }
0x3a: {  	_ = 	snop  }
0x3b: {  	_ = 	snop  }
0x3c: {  	p2 =	seq.s32 s10, $0x1;
	s10 =	sld [smem:$0x3FBB]  }
0x3d: {  	_ =	shalt  }
0x3e: {  	_ =	shalt  }
0x3f: {  	_ =	shalt  }
0x40: {  	_ =	shalt  }
0x41: {  	_ =	shalt  }
0x42: {  	_ =	shalt  }
0x43: {  	_ =	shalt  }
0x44: {  	_ =	shalt  }
0x45: {  	_ =	shalt  }
0x46: {  	_ =	shalt  }
0x47: {  	_ =	shalt  }
0x48: {  	_ =	shalt  }
0x49: {  	_ =	shalt  }
0x4a: {  	_ =	shalt  }
0x4b: {  	_ =	shalt  }
0x4c: {  	_ =	shalt  }
0x4d: {  	_ =	shalt  }
0x4e: {  	_ =	shalt  }
0x4f: {  	_ =	shalt  }
0x50: {  	_ =	shalt  }
0x51: {  	_ =	shalt  }
0x52: {  	_ =	shalt  }
0x53: {  	_ =	shalt  }
0x54: {  	_ =	shalt  }
0x55: {  	_ =	shalt  }
0x56: {  	_ =	shalt  }
0x57: {  	_ =	shalt  }
0x58: {  	_ =	shalt  }
0x59: {  	_ =	shalt  }
0x5a: {  	_ =	shalt  }
0x5b: {  	_ =	shalt  }
0x5c: {  	_ =	shalt  }
0x5d: {  	_ =	shalt  }
0x5e: {  	_ =	shalt  }
0x5f: {  	_ =	shalt  }
0x60: {  	_ =	shalt  }
0x61: {  	_ =	shalt  }
0x62: {  	_ =	shalt  }
0x63: {  	_ =	shalt  }
0x64: {  	_ =	shalt  }
0x65: {  	_ =	shalt  }
0x66: {  	_ =	shalt  }
0x67: {  	_ =	shalt  }
0x68: {  	_ =	shalt  }
0x69: {  	_ =	shalt  }
0x6a: {  	_ =	shalt  }
0x6b: {  	_ =	shalt  }
0x6c: {  	_ =	shalt  }
0x6d: {  	_ =	shalt  }
0x6e: {  	_ =	shalt  }
0x6f: {  	_ =	shalt  }
0x70: {  	_ =	shalt  }
0x71: {  	_ =	shalt  }
0x72: {  	_ =	shalt  }
0x73: {  	_ =	shalt  }
0x74: {  	_ =	shalt  }
0x75: {  	_ =	shalt  }
0x76: {  	_ =	shalt  }
0x77: {  	_ =	shalt  }
0x78: {  	_ =	shalt  }
0x79: {  	_ =	shalt  }
0x7a: {  	_ =	shalt  }
0x7b: {  	_ =	shalt  }
0x7c: {  	_ =	shalt  }
0x7d: {  	_ =	shalt  }
0x7e: {  	_ =	shalt  }
0x7f: {  	_ =	shalt  }
0x80: {  	_ =	shalt  }
0x81: {  	_ =	shalt  }
0x82: {  	_ =	shalt  }
0x83: {  	_ =	shalt  }
0x84: {  	_ =	shalt  }
0x85: {  	_ =	shalt  }
0x86: {  	_ =	shalt  }
0x87: {  	_ =	shalt  }
.Lfunc_end0:
.L_simem_size_0:
called_computation_lowered:
.L_overlay_start_0:
0x88: {  	s2 =	sld [smem:$0x3FD9]  }
0x89: {  	s3 =	sld [smem:$0x3FFE];
	_ =	sdelay $0x1  }
0x8a: {  	s1 =	srdreg.scid  }
0x8b: {  	s0 =	sand.u32 $0x1, s1  }
0x8c: {  	s17 =	sshll.u32 s0, $0xA;
	s2 =	sadd.s32 s3, s2  }
0x8d: {  	s2 =	sadd.s32 s2, s17  }
0x8e: {  	[smem:$0x3FC7] =	sst s2  }
0x8f: {  	_ = 	snop  }
0x90: {  	s2 =	sld [smem:$0x3FD0];
	(tm) =	ssettm $0x1  }
0x91: {  	s18 =	sld [smem:$0x3FFB];
	_ =	sdelay $0x3  }
0x92: {  	_ =	strace s18  }
0x93: {  	s3 =	sld [smem:$0x3FFC];
	_ =	sdelay $0x3  }
0x94: {  	_ =	strace s3  }
0x95: {  	s3 =	sld [smem:$0x3FFD];
	_ =	sdelay $0x3  }
0x96: {  	_ =	strace s3  }
0x97: {  	_ =	strace $0x8FFFFFFF  }
0x98: {  	s19 =	sld [smem:$0x3FDB];
	_ =	sdelay $0x1  }
0x99: {  	s4 =	simm.s32 $_scs_section_size  }
0x9a: {  	s5 =	simm.s32 $_size__tile_overlayer_lowered;
	s6 =	simm.s32 $_tile_overlayer_lowered  }
0x9b: {  	s22 =	simm.s32 $0x1BFF;
	s21 =	sshll.u32 s6, $0x1;
	s3 =	sadd.s32 s4, s19  }
0x9c: {  	s7 =	simm.s32 $0x0;
	s20 =	sshll.u32 s5, $0x1;
	s5 =	sadd.s32 s21, s3  }
0x9d: {  	[timem:s7], [sflag:s22] =	dma.local [hbm:s5], s20  }
0x9e: {  	_ =	swait.ge [sflag:s22], s20  }
0x9f: {  	s4 =	ssub.s32 $0x0, s20;
	[sflag:s22] =	ssyncset.done $0x0  }
0xa0: {  	[sflag:s22] =	ssyncadd.s32 s4;
	_ =	sdelay $0x1  }
0xa1: {  	s23 =	simm.s32 $0x1B8B  }
0xa2: {  	_ =	swait.ge [sflag:s23], $0x1  }
0xa3: {  	[sflag:s23] =	ssyncset.done $0x0  }
0xa4: {  	s25 =	simm.s32 $0x1B8E;
	s24 =	sld [smem:$0x3FFE];
	[sflag:s23] =	ssyncadd.s32 $0xFFFFFFFF  }
0xa5: {  	s26 =	simm.s32 $execute0_lowered;
	[smem:$0x3FD2] =	sst s25  }
0xa6: {  	s5 =	sshll.u32 s26, $0x1;
	_ =	strace $0x80000046;
	[dreg:$0x1] =	wrdreg $0xFFFFFFFF  }
0xa7: {  	s28 =	simm.s32 $_size_execute0_lowered;
	s3 =	sadd.s32 s3, s5;
	[dreg:$0x0] =	wrdreg $0x0  }
0xa8: {  	s5 =	sshll.u32 s28, $0x1;
	[dreg:$0x2] =	wrdreg s3  }
0xa9: {  	[dreg:$0x3] =	wrdreg s5  }
0xaa: {  	[dreg:$0x4] =	wrdreg $0xC0  }
0xab: {  	_ =	task [dreg:s7], $0x5FFFF  }
0xac: {  	[dreg:$0x1] =	wrdreg $0xFFFFFFFF  }
0xad: {  	[dreg:$0x0] =	wrdreg $0x60  }
0xae: {  	[dreg:$0x2] =	wrdreg s2  }
0xaf: {  	[dreg:$0x3] =	wrdreg s24  }
0xb0: {  	[dreg:$0x4] =	wrdreg $0x9  }
0xb1: {  	_ =	task.clear_ibuf [dreg:s7], $0x5FFFF;
	_ =	strace $0x90000046  }
0xb2: {  	s29 =	simm.s32 $0x9;
	_ =	strace $0x80000048  }
0xb3: {  	_ =	swait.ge [sflag:s29], $0x1  }
0xb4: {  	[sflag:s29] =	ssyncadd.s32 $0xFFFFFFFF  }
0xb5: {  	_ =	strace $0x90000048  }
0xb6: {  	_ =	sfence  }
0xb7: {  	s30 =	sld [smem:$0x0];
	_ =	sdelay $0x2  }
0xb8: {  	s31 =	sshll.u32 s1, $0xD;
	s1 =	sshrl.u32 s1, $0x2  }
0xb9: {  	s3 =	sand.u32 $0x4000, s31;
	s1 =	sadd.s32 s1, s30  }
0xba: {  	s0 =	sor.u32 s3, s0;
	s1 =	sshll.u32 s1, $0x11  }
0xbb: {  	s0 =	sor.u32 s1, s0  }
0xbc: {  	s0 =	sadd.s32 $0x8F2B, s0  }
0xbd: {  	[sflag:s0] =	ssyncadd.remote.s32 $0x1  }
0xbe: {  	_ =	sfence.sel $0xFFFF  }
0xbf: {  	[dreg:$0x0] =	wrdreg $0xFFFFFFFF;
	(pc) =	sbr.abs _section_cstart, $3  }
0xc0: {  	[dreg:$0x1] =	wrdreg $0xFFFFFFFF  }
0xc1: {  	_ =	task.clear_ibuf [dreg:s7], $0x2FFFF;
	_ =	strace $0x9FFFFFFF  }
0xc2: {  	(tm) =	ssettm $0x7FFFFFFF  }
0xc3: {  	_ =	shalt  }
tec
execute0_lowered:
.L_overlay_start_1:
0x0: {  	(tag) =	ssettag $0x1  }
0x1: {  	v0 =	vlaneseq.u32  }
0x2: {  	v1 =	vimm.s32 $0x0;
	v9 =	vimm.s32 $0x1;
	v2 =	vor.u32 $0x10, v0  }
0x3: {  	v3 =	vor.u32 $0x20, v0;
	v4 =	vor.u32 $0x30, v0;
	v6 =	vmul.u32 $0x80, v0  }
0x4: {  	v5 =	vor.u32 $0x40, v0;
	v7 =	vor.u32 $0x50, v0;
	v8 =	vor.u32 $0x60, v0  }
0x5: {  	v11 =	vor.u32 $0x800, v6;
	v58 =	vor.u32 $0x1000, v6;
	v12 =	vor.u32 $0x1800, v6  }
0x6: {  	v13 =	vor.u32 $0x2000, v6;
	v14 =	vor.u32 $0x2800, v6;
	v15 =	vor.u32 $0x3000, v6  }
0x7: {  	v16 =	vor.u32 $0x3800, v6;
	v17 =	vor.u32 $0x4000, v6;
	v18 =	vor.u32 $0x4800, v6  }
0x8: {  	v19 =	vor.u32 $0x5000, v6;
	v20 =	vor.u32 $0x5800, v6;
	v21 =	vor.u32 $0x6000, v6  }
0x9: {  	v22 =	vor.u32 $0x6800, v6;
	v23 =	vor.u32 $0x7000, v6;
	v24 =	vor.u32 $0x7800, v6  }
0xa: {  	v25 =	vor.u32 $0x8000, v6;
	v26 =	vor.u32 $0x8800, v6;
	v27 =	vor.u32 $0x9000, v6  }
0xb: {  	v28 =	vor.u32 $0x9800, v6;
	v29 =	vor.u32 $0xA000, v6;
	v30 =	vor.u32 $0xA800, v6  }
0xc: {  	s0 =	stileid.u32;
	s3 =	rddreg [dreg:$0x0];
	v31 =	vor.u32 $0xB000, v6;
	v32 =	vor.u32 $0xB800, v6;
	v33 =	vor.u32 $0xC000, v6  }
0xd: {  	s1 =	srdreg.scid;
	s5 =	rddreg [dreg:$0x1];
	s2 =	simm.s32 $0x0;
	v34 =	vor.u32 $0xC800, v6;
	v35 =	vor.u32 $0xD000, v6;
	v36 =	vor.u32 $0xD800, v6  }
0xe: {  	s9 =	simm.s32 $0x0;
	s4 =	sand.u32 $0x1, s1;
	s1 =	rddreg [dreg:$0x2];
	v37 =	vor.u32 $0xE000, v6;
	v38 =	vor.u32 $0xE800, v6;
	v39 =	vor.u32 $0xF000, v6  }
0xf: {  	s30 =	sshll.u32 s0, $0x1;
	s6 =	smul.u32 $0x62000, s0;
	[smem:$0x7FF] =	sst s2;
	v40 =	vor.u32 $0xF800, v6;
	v41 =	vor.u32 $0x10000, v6;
	v42 =	vor.u32 $0x10800, v6  }
0x10: {  	s7 =	sor.u32 s4, s30;
	s8 =	ssub.s32 $0x2, s4;
	s4 =	smul.u32 $0x31000, s4;
	v43 =	vor.u32 $0x11000, v6;
	v44 =	vor.u32 $0x11800, v6;
	v45 =	vor.u32 $0x12000, v6  }
0x11: {  	s7 =	smul.u32 $0x620, s7;
	s5 =	sadd.s32 s6, s5;
	s31 =	sshrl.u32 s8, $0x1;
	v46 =	vor.u32 $0x12800, v6;
	v47 =	vor.u32 $0x13000, v6;
	v48 =	vor.u32 $0x13800, v6  }
0x12: {  	_ =	strace $0x80000047;
	v49 =	vor.u32 $0x14000, v6;
	v50 =	vor.u32 $0x14800, v6;
	v51 =	vor.u32 $0x15000, v6;
	s6 =	ssub.s32 s8, s31;
	s5 =	sadd.s32 s4, s5  }
0x13: {  	v52 =	vor.u32 $0x15800, v6;
	v53 =	vor.u32 $0x16000, v6;
	v54 =	vor.u32 $0x16800, v6;
	s8 =	simm.s32 $0x1;
	[tilespmem:$0x1FFE0] =	vst v11;
	s3 =	sadd.s32 s3, s7;
	s4 =	smax.u32 s6, $0x1  }
0x14: {  	v55 =	vor.u32 $0x17000, v6;
	v56 =	vor.u32 $0x17800, v6;
	v57 =	vor.u32 $0x18000, v6;
	[tilespmem:$0x1FFF0] =	vst v58;
	s5 =	sadd.s32 $0x600, s5;
	s6 =	simm.s32 $0x2;
	s7 =	simm.s32 $0x3100  }
.LBB2_1:
0x15: {  	s11 =	simm.s32 $0x0  }
0x16: {  	v63 =	vor.u32 s11, v0  }
0x17: {  	[tilespmem:s2], [sflag:$0x2] =	stream.linear.gather [hbm4b:s3+s2], $0x3100, $0x38;
	v60 =	vor.u32 s11, v2;
	[tilespmem:$0x1B900] =	vst v63  }
0x18: {  	_ =	swait.ge [sflag:s6], $0x3100;
	v59 =	vor.u32 s11, v3  }
0x19: {  	v61 =	vor.u32 s11, v4;
	[sflag:s6] =	ssyncset.done $0x0  }
0x1a: {  	v62 =	vor.u32 s11, v5;
	[sflag:s6] =	ssyncadd.s32 $0xFFFFCF00  }
0x1b: {  	s10 =	simm.s32 $0x1;
	v58 =	vor.u32 s11, v8;
	[tilespmem:v63+s7+$0x0] =	vst.idx.msk $0xffff, v1;
	v63 =	vor.u32 s11, v7  }
.LBB2_2:
0x1c: {  	s11 =	sshll.u32 s10, $0x7;
	p0 =	sne.s32 s10, $0x30F;
	s10 =	sadd.s32 $0x1, s10;
	[tilespmem:v60+s7+$0x0] =	vst.idx.msk $0xffff, v1  }
0x1d: {  	v10 =	vor.u32 s11, v0;
	v11 =	vor.u32 s11, v8;
	[tilespmem:v59+s7+$0x0] =	vst.idx.msk $0xffff, v1  }
.Ltmp0:
0x1e: {  	v60 =	vor.u32 s11, v2;
	[tilespmem:v61+s7+$0x0] =	vst.idx.msk $0xffff, v1;
	(pc) =	sbr.rel @p0 .LBB2_2-.Ltmp0, $4  }
0x1f: {  	v59 =	vor.u32 s11, v3;
	[tilespmem:v62+s7+$0x0] =	vst.idx.msk $0xffff, v1  }
0x20: {  	v61 =	vor.u32 s11, v4;
	[tilespmem:v63+s7+$0x0] =	vst.idx.msk $0xffff, v1  }
0x21: {  	v62 =	vor.u32 s11, v5;
	[tilespmem:v58+s7+$0x0] =	vst.idx.msk $0xf, v1;
	v58 =	vmov v11  }
0x22: {  	v63 =	vor.u32 s11, v7;
	[tilespmem:v10+s7+$0x0] =	vst.idx.msk $0xffff, v1  }
0x23: {  	_ =	sdelay $0x3  }
0x24: {  	[tilespmem:v60+s7+$0x0] =	vst.idx.msk $0xffff, v1  }
0x25: {  	[tilespmem:v59+s7+$0x0] =	vst.idx.msk $0xffff, v1  }
0x26: {  	[tilespmem:v61+s7+$0x0] =	vst.idx.msk $0xffff, v1  }
0x27: {  	[tilespmem:v62+s7+$0x0] =	vst.idx.msk $0xffff, v1  }
0x28: {  	v11 =	vld [tilespmem:$0x1FFE0];
	[tilespmem:v63+s7+$0x0] =	vst.idx.msk $0xffff, v1  }
0x29: {  	s10 =	simm.s32 $0x0;
	s11 =	simm.s32 $0x190;
	s12 =	smov.u32 s5;
	[tilespmem:v58+s7+$0x0] =	vst.idx.msk $0xf, v1;
	v58 =	vld [tilespmem:$0x1FFF0]  }
.LBB2_4:
0x2a: {  	v10 =	vld [tilespmem:s11+$0xFFFFFE70];
	_ =	sdelay $0x4  }
0x2b: {  	vm0 =	vlt.u32 v10, $0x64  }
0x2c: {  	v10 =	vadd.s32 v6, v10;
	_ =	sdelay $0x4  }
0x2d: {  	[tilespmem:v10+s7+$0x0] =	vst.idx.msk vm0, v9  }
0x2e: {  	v10 =	vld [tilespmem:s11+$0xFFFFFE80];
	_ =	sdelay $0x4  }
0x2f: {  	vm15 =	vlt.u32 v10, $0x64  }
0x30: {  	v10 =	vadd.s32 v11, v10;
	_ =	sdelay $0x4  }
0x31: {  	[tilespmem:v10+s7+$0x0] =	vst.idx.msk vm15, v9  }
0x32: {  	v10 =	vld [tilespmem:s11+$0xFFFFFE90];
	_ =	sdelay $0x4  }
0x33: {  	vm4 =	vlt.u32 v10, $0x64  }
0x34: {  	v10 =	vadd.s32 v58, v10;
	_ =	sdelay $0x4  }
0x35: {  	[tilespmem:v10+s7+$0x0] =	vst.idx.msk vm4, v9  }
0x36: {  	v10 =	vld [tilespmem:s11+$0xFFFFFEA0];
	_ =	sdelay $0x4  }
0x37: {  	vm5 =	vlt.u32 v10, $0x64  }
0x38: {  	v10 =	vadd.s32 v12, v10;
	_ =	sdelay $0x4  }
0x39: {  	[tilespmem:v10+s7+$0x0] =	vst.idx.msk vm5, v9  }
0x3a: {  	v10 =	vld [tilespmem:s11+$0xFFFFFEB0];
	_ =	sdelay $0x4  }
0x3b: {  	vm6 =	vlt.u32 v10, $0x64  }
0x3c: {  	v10 =	vadd.s32 v13, v10;
	_ =	sdelay $0x4  }
0x3d: {  	[tilespmem:v10+s7+$0x0] =	vst.idx.msk vm6, v9  }
0x3e: {  	v10 =	vld [tilespmem:s11+$0xFFFFFEC0];
	_ =	sdelay $0x4  }
0x3f: {  	vm7 =	vlt.u32 v10, $0x64  }
0x40: {  	v10 =	vadd.s32 v14, v10;
	_ =	sdelay $0x4  }
0x41: {  	[tilespmem:v10+s7+$0x0] =	vst.idx.msk vm7, v9  }
0x42: {  	v10 =	vld [tilespmem:s11+$0xFFFFFED0];
	_ =	sdelay $0x4  }
0x43: {  	vm8 =	vlt.u32 v10, $0x64  }
0x44: {  	v10 =	vadd.s32 v15, v10;
	_ =	sdelay $0x4  }
0x45: {  	[tilespmem:v10+s7+$0x0] =	vst.idx.msk vm8, v9  }
0x46: {  	v10 =	vld [tilespmem:s11+$0xFFFFFEE0];
	_ =	sdelay $0x4  }
0x47: {  	vm9 =	vlt.u32 v10, $0x64  }
0x48: {  	v10 =	vadd.s32 v16, v10;
	_ =	sdelay $0x4  }
0x49: {  	s13 =	sand.u32 $0x3FF0, s10;
	[tilespmem:v10+s7+$0x0] =	vst.idx.msk vm9, v9  }
0x4a: {  	v10 =	vld [tilespmem:s13+$0x80];
	_ =	sdelay $0x4  }
0x4b: {  	vm10 =	vlt.u32 v10, $0x64  }
0x4c: {  	v10 =	vadd.s32 v17, v10;
	_ =	sdelay $0x4  }
0x4d: {  	[tilespmem:v10+s7+$0x0] =	vst.idx.msk vm10, v9  }
0x4e: {  	v10 =	vld [tilespmem:s11+$0xFFFFFF00];
	_ =	sdelay $0x4  }
0x4f: {  	vm11 =	vlt.u32 v10, $0x64  }
0x50: {  	v10 =	vadd.s32 v18, v10;
	_ =	sdelay $0x4  }
0x51: {  	[tilespmem:v10+s7+$0x0] =	vst.idx.msk vm11, v9  }
0x52: {  	v10 =	vld [tilespmem:s11+$0xFFFFFF10];
	_ =	sdelay $0x4  }
0x53: {  	vm12 =	vlt.u32 v10, $0x64  }
0x54: {  	v10 =	vadd.s32 v19, v10;
	_ =	sdelay $0x4  }
0x55: {  	[tilespmem:v10+s7+$0x0] =	vst.idx.msk vm12, v9  }
0x56: {  	v10 =	vld [tilespmem:s11+$0xFFFFFF20];
	_ =	sdelay $0x4  }
0x57: {  	vm13 =	vlt.u32 v10, $0x64  }
0x58: {  	v10 =	vadd.s32 v20, v10;
	_ =	sdelay $0x4  }
0x59: {  	[tilespmem:v10+s7+$0x0] =	vst.idx.msk vm13, v9  }
0x5a: {  	v10 =	vld [tilespmem:s11+$0xFFFFFF30];
	_ =	sdelay $0x4  }
0x5b: {  	vm14 =	vlt.u32 v10, $0x64  }
0x5c: {  	v10 =	vadd.s32 v21, v10;
	_ =	sdelay $0x4  }
0x5d: {  	[tilespmem:v10+s7+$0x0] =	vst.idx.msk vm14, v9  }
0x5e: {  	v10 =	vld [tilespmem:s11+$0xFFFFFF40];
	_ =	sdelay $0x4  }
0x5f: {  	vm15 =	vlt.u32 v10, $0x64  }
0x60: {  	v10 =	vadd.s32 v22, v10;
	_ =	sdelay $0x4  }
0x61: {  	[tilespmem:v10+s7+$0x0] =	vst.idx.msk vm15, v9  }
0x62: {  	v10 =	vld [tilespmem:s11+$0xFFFFFF50];
	_ =	sdelay $0x4  }
0x63: {  	vm4 =	vlt.u32 v10, $0x64  }
0x64: {  	v10 =	vadd.s32 v23, v10;
	_ =	sdelay $0x4  }
0x65: {  	[tilespmem:v10+s7+$0x0] =	vst.idx.msk vm4, v9  }
0x66: {  	v10 =	vld [tilespmem:s11+$0xFFFFFF60];
	_ =	sdelay $0x4  }
0x67: {  	vm5 =	vlt.u32 v10, $0x64  }
0x68: {  	v10 =	vadd.s32 v24, v10;
	_ =	sdelay $0x4  }
0x69: {  	[tilespmem:v10+s7+$0x0] =	vst.idx.msk vm5, v9  }
0x6a: {  	v10 =	vld [tilespmem:s13+$0x100];
	_ =	sdelay $0x4  }
0x6b: {  	vm6 =	vlt.u32 v10, $0x64  }
0x6c: {  	v10 =	vadd.s32 v25, v10;
	_ =	sdelay $0x4  }
0x6d: {  	[tilespmem:v10+s7+$0x0] =	vst.idx.msk vm6, v9  }
0x6e: {  	v10 =	vld [tilespmem:s11+$0xFFFFFF80];
	_ =	sdelay $0x4  }
0x6f: {  	vm7 =	vlt.u32 v10, $0x64  }
0x70: {  	v10 =	vadd.s32 v26, v10;
	_ =	sdelay $0x4  }
0x71: {  	[tilespmem:v10+s7+$0x0] =	vst.idx.msk vm7, v9  }
0x72: {  	v10 =	vld [tilespmem:s11+$0xFFFFFF90];
	_ =	sdelay $0x4  }
0x73: {  	vm8 =	vlt.u32 v10, $0x64  }
0x74: {  	v10 =	vadd.s32 v27, v10;
	_ =	sdelay $0x4  }
0x75: {  	[tilespmem:v10+s7+$0x0] =	vst.idx.msk vm8, v9  }
0x76: {  	v10 =	vld [tilespmem:s11+$0xFFFFFFA0];
	_ =	sdelay $0x4  }
0x77: {  	vm9 =	vlt.u32 v10, $0x64  }
0x78: {  	v10 =	vadd.s32 v28, v10;
	_ =	sdelay $0x4  }
0x79: {  	[tilespmem:v10+s7+$0x0] =	vst.idx.msk vm9, v9  }
0x7a: {  	v10 =	vld [tilespmem:s11+$0xFFFFFFB0];
	_ =	sdelay $0x4  }
0x7b: {  	vm10 =	vlt.u32 v10, $0x64  }
0x7c: {  	v10 =	vadd.s32 v29, v10;
	_ =	sdelay $0x4  }
0x7d: {  	[tilespmem:v10+s7+$0x0] =	vst.idx.msk vm10, v9  }
0x7e: {  	v10 =	vld [tilespmem:s11+$0xFFFFFFC0];
	_ =	sdelay $0x4  }
0x7f: {  	vm11 =	vlt.u32 v10, $0x64  }
0x80: {  	v10 =	vadd.s32 v30, v10;
	_ =	sdelay $0x4  }
0x81: {  	[tilespmem:v10+s7+$0x0] =	vst.idx.msk vm11, v9  }
0x82: {  	v10 =	vld [tilespmem:s11+$0xFFFFFFD0];
	_ =	sdelay $0x4  }
0x83: {  	vm12 =	vlt.u32 v10, $0x64  }
0x84: {  	v10 =	vadd.s32 v31, v10;
	_ =	sdelay $0x4  }
0x85: {  	[tilespmem:v10+s7+$0x0] =	vst.idx.msk vm12, v9  }
0x86: {  	v10 =	vld [tilespmem:s11+$0xFFFFFFE0];
	_ =	sdelay $0x4  }
0x87: {  	vm13 =	vlt.u32 v10, $0x64  }
0x88: {  	v10 =	vadd.s32 v32, v10;
	_ =	sdelay $0x4  }
0x89: {  	[tilespmem:v10+s7+$0x0] =	vst.idx.msk vm13, v9  }
0x8a: {  	v10 =	vld [tilespmem:s13+$0x180];
	_ =	sdelay $0x4  }
0x8b: {  	vm14 =	vlt.u32 v10, $0x64  }
0x8c: {  	v10 =	vadd.s32 v33, v10;
	_ =	sdelay $0x4  }
0x8d: {  	[tilespmem:v10+s7+$0x0] =	vst.idx.msk vm14, v9  }
0x8e: {  	v10 =	vld [tilespmem:s11+$0x0];
	_ =	sdelay $0x4  }
0x8f: {  	vm15 =	vlt.u32 v10, $0x64  }
0x90: {  	v10 =	vadd.s32 v34, v10;
	_ =	sdelay $0x4  }
0x91: {  	[tilespmem:v10+s7+$0x0] =	vst.idx.msk vm15, v9  }
0x92: {  	v10 =	vld [tilespmem:s11+$0x10];
	_ =	sdelay $0x4  }
0x93: {  	vm4 =	vlt.u32 v10, $0x64  }
0x94: {  	v10 =	vadd.s32 v35, v10;
	_ =	sdelay $0x4  }
0x95: {  	[tilespmem:v10+s7+$0x0] =	vst.idx.msk vm4, v9  }
0x96: {  	v10 =	vld [tilespmem:s11+$0x20];
	_ =	sdelay $0x4  }
0x97: {  	vm5 =	vlt.u32 v10, $0x64  }
0x98: {  	v10 =	vadd.s32 v36, v10;
	_ =	sdelay $0x4  }
0x99: {  	[tilespmem:v10+s7+$0x0] =	vst.idx.msk vm5, v9  }
0x9a: {  	v10 =	vld [tilespmem:s11+$0x30];
	_ =	sdelay $0x4  }
0x9b: {  	vm6 =	vlt.u32 v10, $0x64  }
0x9c: {  	v10 =	vadd.s32 v37, v10;
	_ =	sdelay $0x4  }
0x9d: {  	[tilespmem:v10+s7+$0x0] =	vst.idx.msk vm6, v9  }
0x9e: {  	v10 =	vld [tilespmem:s11+$0x40];
	_ =	sdelay $0x4  }
0x9f: {  	vm7 =	vlt.u32 v10, $0x64  }
0xa0: {  	v10 =	vadd.s32 v38, v10;
	_ =	sdelay $0x4  }
0xa1: {  	[tilespmem:v10+s7+$0x0] =	vst.idx.msk vm7, v9  }
0xa2: {  	v10 =	vld [tilespmem:s11+$0x50];
	_ =	sdelay $0x4  }
0xa3: {  	vm8 =	vlt.u32 v10, $0x64  }
0xa4: {  	v10 =	vadd.s32 v39, v10;
	_ =	sdelay $0x4  }
0xa5: {  	[tilespmem:v10+s7+$0x0] =	vst.idx.msk vm8, v9  }
0xa6: {  	v10 =	vld [tilespmem:s11+$0x60];
	_ =	sdelay $0x4  }
0xa7: {  	vm9 =	vlt.u32 v10, $0x64  }
0xa8: {  	v10 =	vadd.s32 v40, v10;
	_ =	sdelay $0x4  }
0xa9: {  	[tilespmem:v10+s7+$0x0] =	vst.idx.msk vm9, v9  }
0xaa: {  	v10 =	vld [tilespmem:s13+$0x200];
	_ =	sdelay $0x4  }
0xab: {  	vm10 =	vlt.u32 v10, $0x64  }
0xac: {  	v10 =	vadd.s32 v41, v10;
	_ =	sdelay $0x4  }
0xad: {  	[tilespmem:v10+s7+$0x0] =	vst.idx.msk vm10, v9  }
0xae: {  	v10 =	vld [tilespmem:s11+$0x80];
	_ =	sdelay $0x4  }
0xaf: {  	vm11 =	vlt.u32 v10, $0x64  }
0xb0: {  	v10 =	vadd.s32 v42, v10;
	_ =	sdelay $0x4  }
0xb1: {  	[tilespmem:v10+s7+$0x0] =	vst.idx.msk vm11, v9  }
0xb2: {  	v10 =	vld [tilespmem:s11+$0x90];
	_ =	sdelay $0x4  }
0xb3: {  	vm12 =	vlt.u32 v10, $0x64  }
0xb4: {  	v10 =	vadd.s32 v43, v10;
	_ =	sdelay $0x4  }
0xb5: {  	[tilespmem:v10+s7+$0x0] =	vst.idx.msk vm12, v9  }
0xb6: {  	v10 =	vld [tilespmem:s11+$0xA0];
	_ =	sdelay $0x4  }
0xb7: {  	vm13 =	vlt.u32 v10, $0x64  }
0xb8: {  	v10 =	vadd.s32 v44, v10;
	_ =	sdelay $0x4  }
0xb9: {  	[tilespmem:v10+s7+$0x0] =	vst.idx.msk vm13, v9  }
0xba: {  	v10 =	vld [tilespmem:s11+$0xB0];
	_ =	sdelay $0x4  }
0xbb: {  	vm14 =	vlt.u32 v10, $0x64  }
0xbc: {  	v10 =	vadd.s32 v45, v10;
	_ =	sdelay $0x4  }
0xbd: {  	[tilespmem:v10+s7+$0x0] =	vst.idx.msk vm14, v9  }
0xbe: {  	v10 =	vld [tilespmem:s11+$0xC0];
	_ =	sdelay $0x4  }
0xbf: {  	vm15 =	vlt.u32 v10, $0x64  }
0xc0: {  	v10 =	vadd.s32 v46, v10;
	_ =	sdelay $0x4  }
0xc1: {  	[tilespmem:v10+s7+$0x0] =	vst.idx.msk vm15, v9  }
0xc2: {  	v10 =	vld [tilespmem:s11+$0xD0];
	_ =	sdelay $0x4  }
0xc3: {  	vm4 =	vlt.u32 v10, $0x64  }
0xc4: {  	v10 =	vadd.s32 v47, v10;
	_ =	sdelay $0x4  }
0xc5: {  	[tilespmem:v10+s7+$0x0] =	vst.idx.msk vm4, v9  }
0xc6: {  	v10 =	vld [tilespmem:s11+$0xE0];
	_ =	sdelay $0x4  }
0xc7: {  	vm5 =	vlt.u32 v10, $0x64  }
0xc8: {  	v10 =	vadd.s32 v48, v10;
	_ =	sdelay $0x4  }
0xc9: {  	[tilespmem:v10+s7+$0x0] =	vst.idx.msk vm5, v9  }
0xca: {  	v10 =	vld [tilespmem:s13+$0x280];
	_ =	sdelay $0x4  }
0xcb: {  	vm6 =	vlt.u32 v10, $0x64  }
0xcc: {  	v10 =	vadd.s32 v49, v10;
	_ =	sdelay $0x4  }
0xcd: {  	[tilespmem:v10+s7+$0x0] =	vst.idx.msk vm6, v9  }
0xce: {  	v10 =	vld [tilespmem:s11+$0x100];
	_ =	sdelay $0x4  }
0xcf: {  	vm7 =	vlt.u32 v10, $0x64  }
0xd0: {  	v10 =	vadd.s32 v50, v10;
	_ =	sdelay $0x4  }
0xd1: {  	[tilespmem:v10+s7+$0x0] =	vst.idx.msk vm7, v9  }
0xd2: {  	v10 =	vld [tilespmem:s11+$0x110];
	_ =	sdelay $0x4  }
0xd3: {  	vm8 =	vlt.u32 v10, $0x64  }
0xd4: {  	v10 =	vadd.s32 v51, v10;
	_ =	sdelay $0x4  }
0xd5: {  	[tilespmem:v10+s7+$0x0] =	vst.idx.msk vm8, v9  }
0xd6: {  	v10 =	vld [tilespmem:s11+$0x120];
	_ =	sdelay $0x4  }
0xd7: {  	vm9 =	vlt.u32 v10, $0x64  }
0xd8: {  	v10 =	vadd.s32 v52, v10;
	_ =	sdelay $0x4  }
0xd9: {  	[tilespmem:v10+s7+$0x0] =	vst.idx.msk vm9, v9  }
0xda: {  	v10 =	vld [tilespmem:s11+$0x130];
	_ =	sdelay $0x4  }
0xdb: {  	vm10 =	vlt.u32 v10, $0x64  }
0xdc: {  	v10 =	vadd.s32 v53, v10;
	_ =	sdelay $0x4  }
0xdd: {  	[tilespmem:v10+s7+$0x0] =	vst.idx.msk vm10, v9  }
0xde: {  	v10 =	vld [tilespmem:s11+$0x140];
	_ =	sdelay $0x4  }
0xdf: {  	vm11 =	vlt.u32 v10, $0x64  }
0xe0: {  	v10 =	vadd.s32 v54, v10;
	_ =	sdelay $0x4  }
0xe1: {  	[tilespmem:v10+s7+$0x0] =	vst.idx.msk vm11, v9  }
0xe2: {  	v10 =	vld [tilespmem:s11+$0x150];
	_ =	sdelay $0x4  }
0xe3: {  	vm12 =	vlt.u32 v10, $0x64  }
0xe4: {  	v10 =	vadd.s32 v55, v10;
	_ =	sdelay $0x4  }
0xe5: {  	[tilespmem:v10+s7+$0x0] =	vst.idx.msk vm12, v9  }
0xe6: {  	v10 =	vld [tilespmem:s11+$0x160];
	_ =	sdelay $0x4  }
0xe7: {  	vm13 =	vlt.u32 v10, $0x64  }
0xe8: {  	v10 =	vadd.s32 v56, v10;
	_ =	sdelay $0x4  }
0xe9: {  	[tilespmem:v10+s7+$0x0] =	vst.idx.msk vm13, v9  }
0xea: {  	v10 =	vld [tilespmem:s13+$0x300];
	_ =	sdelay $0x4  }
0xeb: {  	vm14 =	vlt.u32 v10, $0x64  }
0xec: {  	v10 =	vadd.s32 v57, v10;
	_ =	sdelay $0x4  }
0xed: {  	[tilespmem:v10+s7+$0x0] =	vst.idx.msk vm14, v9  }
0xee: {  	[hbm4b:s12+s2] =	stream.linear.scatter [tilespmem:s7], [sflag:$0x1], $0x18800, $0x38;
	[tilespmem:$0x1B900] =	vst v63  }
0xef: {  	_ =	swait.ge [sflag:s8], $0x18800  }
0xf0: {  	[sflag:s8] =	ssyncset.done $0x0  }
0xf1: {  	[sflag:s8] =	ssyncadd.s32 $0xFFFE7800  }
0xf2: {  	v10 =	vld [tilespmem:s11+$0xFFFFFE70];
	_ =	sdelay $0x4  }
0xf3: {  	vm15 =	vlt.u32 v10, $0x64  }
0xf4: {  	v10 =	vadd.s32 v6, v10;
	_ =	sdelay $0x4  }
0xf5: {  	[tilespmem:v10+s7+$0x0] =	vst.idx.msk vm15, v1  }
0xf6: {  	v10 =	vld [tilespmem:s11+$0xFFFFFE80];
	_ =	sdelay $0x4  }
0xf7: {  	vm4 =	vlt.u32 v10, $0x64  }
0xf8: {  	v10 =	vadd.s32 v11, v10;
	_ =	sdelay $0x4  }
0xf9: {  	[tilespmem:v10+s7+$0x0] =	vst.idx.msk vm4, v1  }
0xfa: {  	v10 =	vld [tilespmem:s11+$0xFFFFFE90];
	_ =	sdelay $0x4  }
0xfb: {  	vm5 =	vlt.u32 v10, $0x64  }
0xfc: {  	v10 =	vadd.s32 v58, v10;
	_ =	sdelay $0x4  }
0xfd: {  	[tilespmem:v10+s7+$0x0] =	vst.idx.msk vm5, v1  }
0xfe: {  	v10 =	vld [tilespmem:s11+$0xFFFFFEA0];
	_ =	sdelay $0x4  }
0xff: {  	vm6 =	vlt.u32 v10, $0x64  }
0x100: {  	v10 =	vadd.s32 v12, v10;
	_ =	sdelay $0x4  }
0x101: {  	[tilespmem:v10+s7+$0x0] =	vst.idx.msk vm6, v1  }
0x102: {  	v10 =	vld [tilespmem:s11+$0xFFFFFEB0];
	_ =	sdelay $0x4  }
0x103: {  	vm7 =	vlt.u32 v10, $0x64  }
0x104: {  	v10 =	vadd.s32 v13, v10;
	_ =	sdelay $0x4  }
0x105: {  	[tilespmem:v10+s7+$0x0] =	vst.idx.msk vm7, v1  }
0x106: {  	v10 =	vld [tilespmem:s11+$0xFFFFFEC0];
	_ =	sdelay $0x4  }
0x107: {  	vm8 =	vlt.u32 v10, $0x64  }
0x108: {  	v10 =	vadd.s32 v14, v10;
	_ =	sdelay $0x4  }
0x109: {  	[tilespmem:v10+s7+$0x0] =	vst.idx.msk vm8, v1  }
0x10a: {  	v10 =	vld [tilespmem:s11+$0xFFFFFED0];
	_ =	sdelay $0x4  }
0x10b: {  	vm9 =	vlt.u32 v10, $0x64  }
0x10c: {  	v10 =	vadd.s32 v15, v10;
	_ =	sdelay $0x4  }
0x10d: {  	[tilespmem:v10+s7+$0x0] =	vst.idx.msk vm9, v1  }
0x10e: {  	v10 =	vld [tilespmem:s11+$0xFFFFFEE0];
	_ =	sdelay $0x4  }
0x10f: {  	vm10 =	vlt.u32 v10, $0x64  }
0x110: {  	v10 =	vadd.s32 v16, v10;
	_ =	sdelay $0x4  }
0x111: {  	[tilespmem:v10+s7+$0x0] =	vst.idx.msk vm10, v1  }
0x112: {  	v10 =	vld [tilespmem:s13+$0x80];
	_ =	sdelay $0x4  }
0x113: {  	vm11 =	vlt.u32 v10, $0x64  }
0x114: {  	v10 =	vadd.s32 v17, v10;
	_ =	sdelay $0x4  }
0x115: {  	[tilespmem:v10+s7+$0x0] =	vst.idx.msk vm11, v1  }
0x116: {  	v10 =	vld [tilespmem:s11+$0xFFFFFF00];
	_ =	sdelay $0x4  }
0x117: {  	vm12 =	vlt.u32 v10, $0x64  }
0x118: {  	v10 =	vadd.s32 v18, v10;
	_ =	sdelay $0x4  }
0x119: {  	[tilespmem:v10+s7+$0x0] =	vst.idx.msk vm12, v1  }
0x11a: {  	v10 =	vld [tilespmem:s11+$0xFFFFFF10];
	_ =	sdelay $0x4  }
0x11b: {  	vm13 =	vlt.u32 v10, $0x64  }
0x11c: {  	v10 =	vadd.s32 v19, v10;
	_ =	sdelay $0x4  }
0x11d: {  	[tilespmem:v10+s7+$0x0] =	vst.idx.msk vm13, v1  }
0x11e: {  	v10 =	vld [tilespmem:s11+$0xFFFFFF20];
	_ =	sdelay $0x4  }
0x11f: {  	vm14 =	vlt.u32 v10, $0x64  }
0x120: {  	v10 =	vadd.s32 v20, v10;
	_ =	sdelay $0x4  }
0x121: {  	[tilespmem:v10+s7+$0x0] =	vst.idx.msk vm14, v1  }
0x122: {  	v10 =	vld [tilespmem:s11+$0xFFFFFF30];
	_ =	sdelay $0x4  }
0x123: {  	vm15 =	vlt.u32 v10, $0x64  }
0x124: {  	v10 =	vadd.s32 v21, v10;
	_ =	sdelay $0x4  }
0x125: {  	[tilespmem:v10+s7+$0x0] =	vst.idx.msk vm15, v1  }
0x126: {  	v10 =	vld [tilespmem:s11+$0xFFFFFF40];
	_ =	sdelay $0x4  }
0x127: {  	vm4 =	vlt.u32 v10, $0x64  }
0x128: {  	v10 =	vadd.s32 v22, v10;
	_ =	sdelay $0x4  }
0x129: {  	[tilespmem:v10+s7+$0x0] =	vst.idx.msk vm4, v1  }
0x12a: {  	v10 =	vld [tilespmem:s11+$0xFFFFFF50];
	_ =	sdelay $0x4  }
0x12b: {  	vm5 =	vlt.u32 v10, $0x64  }
0x12c: {  	v10 =	vadd.s32 v23, v10;
	_ =	sdelay $0x4  }
0x12d: {  	[tilespmem:v10+s7+$0x0] =	vst.idx.msk vm5, v1  }
0x12e: {  	v10 =	vld [tilespmem:s11+$0xFFFFFF60];
	_ =	sdelay $0x4  }
0x12f: {  	vm6 =	vlt.u32 v10, $0x64  }
0x130: {  	v10 =	vadd.s32 v24, v10;
	_ =	sdelay $0x4  }
0x131: {  	[tilespmem:v10+s7+$0x0] =	vst.idx.msk vm6, v1  }
0x132: {  	v10 =	vld [tilespmem:s13+$0x100];
	_ =	sdelay $0x4  }
0x133: {  	vm7 =	vlt.u32 v10, $0x64  }
0x134: {  	v10 =	vadd.s32 v25, v10;
	_ =	sdelay $0x4  }
0x135: {  	[tilespmem:v10+s7+$0x0] =	vst.idx.msk vm7, v1  }
0x136: {  	v10 =	vld [tilespmem:s11+$0xFFFFFF80];
	_ =	sdelay $0x4  }
0x137: {  	vm8 =	vlt.u32 v10, $0x64  }
0x138: {  	v10 =	vadd.s32 v26, v10;
	_ =	sdelay $0x4  }
0x139: {  	[tilespmem:v10+s7+$0x0] =	vst.idx.msk vm8, v1  }
0x13a: {  	v10 =	vld [tilespmem:s11+$0xFFFFFF90];
	_ =	sdelay $0x4  }
0x13b: {  	vm9 =	vlt.u32 v10, $0x64  }
0x13c: {  	v10 =	vadd.s32 v27, v10;
	_ =	sdelay $0x4  }
0x13d: {  	[tilespmem:v10+s7+$0x0] =	vst.idx.msk vm9, v1  }
0x13e: {  	v10 =	vld [tilespmem:s11+$0xFFFFFFA0];
	_ =	sdelay $0x4  }
0x13f: {  	vm10 =	vlt.u32 v10, $0x64  }
0x140: {  	v10 =	vadd.s32 v28, v10;
	_ =	sdelay $0x4  }
0x141: {  	[tilespmem:v10+s7+$0x0] =	vst.idx.msk vm10, v1  }
0x142: {  	v10 =	vld [tilespmem:s11+$0xFFFFFFB0];
	_ =	sdelay $0x4  }
0x143: {  	vm11 =	vlt.u32 v10, $0x64  }
0x144: {  	v10 =	vadd.s32 v29, v10;
	_ =	sdelay $0x4  }
0x145: {  	[tilespmem:v10+s7+$0x0] =	vst.idx.msk vm11, v1  }
0x146: {  	v10 =	vld [tilespmem:s11+$0xFFFFFFC0];
	_ =	sdelay $0x4  }
0x147: {  	vm12 =	vlt.u32 v10, $0x64  }
0x148: {  	v10 =	vadd.s32 v30, v10;
	_ =	sdelay $0x4  }
0x149: {  	[tilespmem:v10+s7+$0x0] =	vst.idx.msk vm12, v1  }
0x14a: {  	v10 =	vld [tilespmem:s11+$0xFFFFFFD0];
	_ =	sdelay $0x4  }
0x14b: {  	vm13 =	vlt.u32 v10, $0x64  }
0x14c: {  	v10 =	vadd.s32 v31, v10;
	_ =	sdelay $0x4  }
0x14d: {  	[tilespmem:v10+s7+$0x0] =	vst.idx.msk vm13, v1  }
0x14e: {  	v10 =	vld [tilespmem:s11+$0xFFFFFFE0];
	_ =	sdelay $0x4  }
0x14f: {  	vm14 =	vlt.u32 v10, $0x64  }
0x150: {  	v10 =	vadd.s32 v32, v10;
	_ =	sdelay $0x4  }
0x151: {  	[tilespmem:v10+s7+$0x0] =	vst.idx.msk vm14, v1  }
0x152: {  	v10 =	vld [tilespmem:s13+$0x180];
	_ =	sdelay $0x4  }
0x153: {  	vm15 =	vlt.u32 v10, $0x64  }
0x154: {  	v10 =	vadd.s32 v33, v10;
	_ =	sdelay $0x4  }
0x155: {  	[tilespmem:v10+s7+$0x0] =	vst.idx.msk vm15, v1  }
0x156: {  	v10 =	vld [tilespmem:s11+$0x0];
	_ =	sdelay $0x4  }
0x157: {  	vm4 =	vlt.u32 v10, $0x64  }
0x158: {  	v10 =	vadd.s32 v34, v10;
	_ =	sdelay $0x4  }
0x159: {  	[tilespmem:v10+s7+$0x0] =	vst.idx.msk vm4, v1  }
0x15a: {  	v10 =	vld [tilespmem:s11+$0x10];
	_ =	sdelay $0x4  }
0x15b: {  	vm5 =	vlt.u32 v10, $0x64  }
0x15c: {  	v10 =	vadd.s32 v35, v10;
	_ =	sdelay $0x4  }
0x15d: {  	[tilespmem:v10+s7+$0x0] =	vst.idx.msk vm5, v1  }
0x15e: {  	v10 =	vld [tilespmem:s11+$0x20];
	_ =	sdelay $0x4  }
0x15f: {  	vm6 =	vlt.u32 v10, $0x64  }
0x160: {  	v10 =	vadd.s32 v36, v10;
	_ =	sdelay $0x4  }
0x161: {  	[tilespmem:v10+s7+$0x0] =	vst.idx.msk vm6, v1  }
0x162: {  	v10 =	vld [tilespmem:s11+$0x30];
	_ =	sdelay $0x4  }
0x163: {  	vm7 =	vlt.u32 v10, $0x64  }
0x164: {  	v10 =	vadd.s32 v37, v10;
	_ =	sdelay $0x4  }
0x165: {  	[tilespmem:v10+s7+$0x0] =	vst.idx.msk vm7, v1  }
0x166: {  	v10 =	vld [tilespmem:s11+$0x40];
	_ =	sdelay $0x4  }
0x167: {  	vm8 =	vlt.u32 v10, $0x64  }
0x168: {  	v10 =	vadd.s32 v38, v10;
	_ =	sdelay $0x4  }
0x169: {  	[tilespmem:v10+s7+$0x0] =	vst.idx.msk vm8, v1  }
0x16a: {  	v10 =	vld [tilespmem:s11+$0x50];
	_ =	sdelay $0x4  }
0x16b: {  	vm9 =	vlt.u32 v10, $0x64  }
0x16c: {  	v10 =	vadd.s32 v39, v10;
	_ =	sdelay $0x4  }
0x16d: {  	[tilespmem:v10+s7+$0x0] =	vst.idx.msk vm9, v1  }
0x16e: {  	v10 =	vld [tilespmem:s11+$0x60];
	_ =	sdelay $0x4  }
0x16f: {  	vm10 =	vlt.u32 v10, $0x64  }
0x170: {  	v10 =	vadd.s32 v40, v10;
	_ =	sdelay $0x4  }
0x171: {  	[tilespmem:v10+s7+$0x0] =	vst.idx.msk vm10, v1  }
0x172: {  	v10 =	vld [tilespmem:s13+$0x200];
	_ =	sdelay $0x4  }
0x173: {  	vm11 =	vlt.u32 v10, $0x64  }
0x174: {  	v10 =	vadd.s32 v41, v10;
	_ =	sdelay $0x4  }
0x175: {  	[tilespmem:v10+s7+$0x0] =	vst.idx.msk vm11, v1  }
0x176: {  	v10 =	vld [tilespmem:s11+$0x80];
	_ =	sdelay $0x4  }
0x177: {  	vm12 =	vlt.u32 v10, $0x64  }
0x178: {  	v10 =	vadd.s32 v42, v10;
	_ =	sdelay $0x4  }
0x179: {  	[tilespmem:v10+s7+$0x0] =	vst.idx.msk vm12, v1  }
0x17a: {  	v10 =	vld [tilespmem:s11+$0x90];
	_ =	sdelay $0x4  }
0x17b: {  	vm13 =	vlt.u32 v10, $0x64  }
0x17c: {  	v10 =	vadd.s32 v43, v10;
	_ =	sdelay $0x4  }
0x17d: {  	[tilespmem:v10+s7+$0x0] =	vst.idx.msk vm13, v1  }
0x17e: {  	v10 =	vld [tilespmem:s11+$0xA0];
	_ =	sdelay $0x4  }
0x17f: {  	vm14 =	vlt.u32 v10, $0x64  }
0x180: {  	v10 =	vadd.s32 v44, v10;
	_ =	sdelay $0x4  }
0x181: {  	[tilespmem:v10+s7+$0x0] =	vst.idx.msk vm14, v1  }
0x182: {  	v10 =	vld [tilespmem:s11+$0xB0];
	_ =	sdelay $0x4  }
0x183: {  	vm15 =	vlt.u32 v10, $0x64  }
0x184: {  	v10 =	vadd.s32 v45, v10;
	_ =	sdelay $0x4  }
0x185: {  	[tilespmem:v10+s7+$0x0] =	vst.idx.msk vm15, v1  }
0x186: {  	v10 =	vld [tilespmem:s11+$0xC0];
	_ =	sdelay $0x4  }
0x187: {  	vm4 =	vlt.u32 v10, $0x64  }
0x188: {  	v10 =	vadd.s32 v46, v10;
	_ =	sdelay $0x4  }
0x189: {  	[tilespmem:v10+s7+$0x0] =	vst.idx.msk vm4, v1  }
0x18a: {  	v10 =	vld [tilespmem:s11+$0xD0];
	_ =	sdelay $0x4  }
0x18b: {  	vm5 =	vlt.u32 v10, $0x64  }
0x18c: {  	v10 =	vadd.s32 v47, v10;
	_ =	sdelay $0x4  }
0x18d: {  	[tilespmem:v10+s7+$0x0] =	vst.idx.msk vm5, v1  }
0x18e: {  	v10 =	vld [tilespmem:s11+$0xE0];
	_ =	sdelay $0x4  }
0x18f: {  	vm6 =	vlt.u32 v10, $0x64  }
0x190: {  	v10 =	vadd.s32 v48, v10;
	_ =	sdelay $0x4  }
0x191: {  	[tilespmem:v10+s7+$0x0] =	vst.idx.msk vm6, v1  }
0x192: {  	v10 =	vld [tilespmem:s13+$0x280];
	_ =	sdelay $0x4  }
0x193: {  	vm7 =	vlt.u32 v10, $0x64  }
0x194: {  	v10 =	vadd.s32 v49, v10;
	_ =	sdelay $0x4  }
0x195: {  	[tilespmem:v10+s7+$0x0] =	vst.idx.msk vm7, v1  }
0x196: {  	v10 =	vld [tilespmem:s11+$0x100];
	_ =	sdelay $0x4  }
0x197: {  	vm8 =	vlt.u32 v10, $0x64  }
0x198: {  	v10 =	vadd.s32 v50, v10;
	_ =	sdelay $0x4  }
0x199: {  	[tilespmem:v10+s7+$0x0] =	vst.idx.msk vm8, v1  }
0x19a: {  	v10 =	vld [tilespmem:s11+$0x110];
	_ =	sdelay $0x4  }
0x19b: {  	vm9 =	vlt.u32 v10, $0x64  }
0x19c: {  	v10 =	vadd.s32 v51, v10;
	_ =	sdelay $0x4  }
0x19d: {  	[tilespmem:v10+s7+$0x0] =	vst.idx.msk vm9, v1  }
0x19e: {  	v10 =	vld [tilespmem:s11+$0x120];
	_ =	sdelay $0x4  }
0x19f: {  	vm10 =	vlt.u32 v10, $0x64  }
0x1a0: {  	v10 =	vadd.s32 v52, v10;
	_ =	sdelay $0x4  }
0x1a1: {  	[tilespmem:v10+s7+$0x0] =	vst.idx.msk vm10, v1  }
0x1a2: {  	v10 =	vld [tilespmem:s11+$0x130];
	_ =	sdelay $0x4  }
0x1a3: {  	vm11 =	vlt.u32 v10, $0x64  }
0x1a4: {  	v10 =	vadd.s32 v53, v10;
	_ =	sdelay $0x4  }
0x1a5: {  	[tilespmem:v10+s7+$0x0] =	vst.idx.msk vm11, v1  }
0x1a6: {  	v10 =	vld [tilespmem:s11+$0x140];
	_ =	sdelay $0x4  }
0x1a7: {  	vm12 =	vlt.u32 v10, $0x64  }
0x1a8: {  	v10 =	vadd.s32 v54, v10;
	_ =	sdelay $0x4  }
0x1a9: {  	[tilespmem:v10+s7+$0x0] =	vst.idx.msk vm12, v1  }
0x1aa: {  	v10 =	vld [tilespmem:s11+$0x150];
	_ =	sdelay $0x4  }
0x1ab: {  	vm13 =	vlt.u32 v10, $0x64  }
0x1ac: {  	v10 =	vadd.s32 v55, v10;
	_ =	sdelay $0x4  }
0x1ad: {  	[tilespmem:v10+s7+$0x0] =	vst.idx.msk vm13, v1  }
0x1ae: {  	v10 =	vld [tilespmem:s11+$0x160];
	_ =	sdelay $0x4  }
0x1af: {  	vm14 =	vlt.u32 v10, $0x64  }
0x1b0: {  	v10 =	vadd.s32 v56, v10;
	_ =	sdelay $0x4  }
0x1b1: {  	[tilespmem:v10+s7+$0x0] =	vst.idx.msk vm14, v1  }
0x1b2: {  	v10 =	vld [tilespmem:s13+$0x300];
	_ =	sdelay $0x4  }
0x1b3: {  	vm15 =	vlt.u32 v10, $0x64  }
0x1b4: {  	p0 =	sne.s32 s10, $0x2DF0;
	v10 =	vadd.s32 v57, v10  }
.Ltmp1:
0x1b5: {  	_ = 	snop;
	(pc) =	sbr.rel @p0 .LBB2_4-.Ltmp1, $2  }
0x1b6: {  	_ =	sdelay $0x2  }
0x1b7: {  	s10 =	sadd.s32 $0x310, s10;
	s12 =	sadd.s32 $0x3100, s12;
	s11 =	sadd.s32 $0x310, s11;
	[tilespmem:v10+s7+$0x0] =	vst.idx.msk vm15, v1  }
0x1b8: {  	s9 =	sadd.s32 $0x1, s9  }
0x1b9: {  	p0 =	sne.s32 s9, s4  }
.Ltmp2:
0x1ba: {  	_ = 	snop;
	(pc) =	sbr.rel @p0 .LBB2_1-.Ltmp2, $1  }
0x1bb: {  	_ =	sdelay $0x3  }
0x1bc: {  	_ =	sfence.sel $0x180000  }
0x1bd: {  	[bflag:$0x0] =	sbarrier.arrive $0xFFFF  }
0x1be: {  	p0 =	sne.s32 s0, $0x0;
	_ =	strace $0x90000047  }
0x1bf: {  	s0 =	sadd.s32 @!p0 $0x100000, s1;
	[bflag:$0x2] =	sbarrier.arrive $0xFFFF  }
0x1c0: {  	[sflag:s0] =	ssyncadd.tile.s32 @!p0 $0x1;
	_ =	shalt  }
.Lfunc_end2:
_tile_overlayer_lowered:
.L_overlay_start_2:
0x1c1: {  	(tag) =	ssettag $0x2  }
0x1c2: {  	s0 =	rddreg [dreg:$0x0];
	s2 =	stileid.u32  }
0x1c3: {  	s1 =	rddreg [dreg:$0x1];
	p0 =	sne.s32 s2, $0x0  }
0x1c4: {  	s3 =	rddreg [dreg:$0x2];
	[bflag:$0x3] =	sbarrier.arrive $0xFFFF;
	s2 =	simm.s32 @!p0 $0x1C02  }
0x1c5: {  	[timem:s3], [sflag:s2] =	dma.local @!p0 [hbm:s0], s1  }
0x1c6: {  	s0 =	simm.s32 @!p0 $0x2  }
0x1c7: {  	_ =	swait.ge @!p0 [sflag:s0], s1  }
0x1c8: {  	s1 =	ssub.s32 @!p0 $0x0, s1;
	[sflag:s0] =	ssyncset.done @!p0 $0x0  }
0x1c9: {  	[sflag:s0] =	ssyncadd.s32 @!p0 s1  }
0x1ca: {  	[bflag:$0x3] =	sbarrier.arrive $0xFFFF  }
0x1cb: {  	_ =	shalt  }

</sc_bundles>
